<compile_context>
chip_gen: v7x
topology: tpu7x:2x2x1
jax: 0.10.2.dev20260603
libtpu: 0.0.44.dev20260713+nightly
codegen_flags: <defaults>
</compile_context>

<pallas_src>
import jax
import jax.numpy as jnp
from jax.experimental import pallas as pl
from jax.experimental.pallas import tpu as pltpu

N = 10000
K = 16
D_IN = 8
D_MODEL = 128
NUM_CLASSES = 16
NPAD = 10240
CHUNK = 5008
NBLK = 2 * K
NCH = 2
NSTEP = NBLK * NCH
E = 2 * K * N - K * (K + 1)


def _node_kernel(x_ref, w1_ref, b1_ref, w2_ref, b2_ref, wt_ref, wb_ref,
                 a_ref, b_ref):
    x = x_ref[...]
    ii = jax.lax.broadcasted_iota(jnp.int32, (NPAD, 1), 0).astype(jnp.float32)
    deg = (jnp.minimum(ii, float(K)) +
           jnp.minimum(float(N - 1) - ii, float(K)) + 1.0)
    dinv = jnp.where(ii < float(N), jax.lax.rsqrt(jnp.maximum(deg, 1.0)), 0.0)

    def shift_up(v, s):
        return jnp.concatenate([v[s:], jnp.zeros((s, D_MODEL), jnp.float32)], 0)

    def shift_down(v, s):
        return jnp.concatenate([jnp.zeros((s, D_MODEL), jnp.float32), v[:-s]], 0)

    def conv(h, bias):
        z = dinv * h
        zp = shift_down(z, K)
        p = zp
        for s in (1, 2, 4, 8, 16):
            p = p + shift_up(p, s)
        w = p + shift_up(zp, 2 * K)
        return jax.nn.relu(dinv * w + bias)

    h1 = jnp.dot(x, w1_ref[...], preferred_element_type=jnp.float32)
    x1 = conv(h1, b1_ref[...])
    h2 = jnp.dot(x1, w2_ref[...], preferred_element_type=jnp.float32)
    x2 = conv(h2, b2_ref[...])
    a_ref[...] = jnp.dot(x2, wt_ref[...], preferred_element_type=jnp.float32)
    b_ref[...] = jnp.dot(x2, wb_ref[...], preferred_element_type=jnp.float32)


def _edge_kernel(a_ref, b_ref, bs_ref, idx_ref, bl1_ref, wf_ref, bf_ref,
                 probs_ref, bbox_ref, ip_ref,
                 sp_ref, sb8_ref, si2_ref,
                 p_sem, ob_sem, oi_sem):
    blk = pl.program_id(0)
    c = pl.program_id(1)
    step = blk * NCH + c
    slot = jax.lax.rem(step, 2)

    q = blk // 2
    off = q + 1
    rev = jax.lax.rem(blk, 2)
    lblk = N - off
    start_blk = 2 * q * N - q * (q + 1) + rev * lblk
    cs = jnp.minimum(c * CHUNK, lblk - CHUNK)
    row0 = start_blk + cs
    p_src = cs + rev * off
    p_dst = cs + (1 - rev) * off

    def probs_copy(s):
        return pltpu.make_async_copy(
            sp_ref.at[s], probs_ref.at[pl.ds(row0, CHUNK)], p_sem.at[s])

    def out_copies(s):
        return (
            pltpu.make_async_copy(
                sb8_ref.at[s], bbox_ref.at[pl.ds(row0, CHUNK)], ob_sem.at[s]),
            pltpu.make_async_copy(
                si2_ref.at[s], ip_ref.at[pl.ds(row0, CHUNK)], oi_sem.at[s]),
        )

    @pl.when(step >= 2)
    def _():
        probs_copy(slot).wait()
        for cp in out_copies(slot):
            cp.wait()

    a = a_ref[pl.ds(p_src, CHUNK), :]
    b = b_ref[pl.ds(p_dst, CHUNK), :]
    h = jax.nn.relu(a + b + bl1_ref[...])
    logits = jnp.dot(h.astype(jnp.bfloat16), wf_ref[...].astype(jnp.bfloat16),
                     preferred_element_type=jnp.float32)
    logits = logits + bf_ref[...]
    m = jnp.max(logits, axis=-1, keepdims=True)
    lse = jnp.log(jnp.sum(jnp.exp(logits - m), axis=-1, keepdims=True)) + m
    sp_ref[slot] = logits - lse
    sb8_ref[slot] = jnp.concatenate(
        [bs_ref[pl.ds(p_src, CHUNK), :], bs_ref[pl.ds(p_dst, CHUNK), :]],
        axis=1)
    si2_ref[slot] = jnp.concatenate(
        [idx_ref[pl.ds(p_src, CHUNK), :], idx_ref[pl.ds(p_dst, CHUNK), :]],
        axis=1)

    for cp in out_copies(slot):
        cp.start()
    probs_copy(slot).start()

    @pl.when(step == NSTEP - 1)
    def _():
        for s in (slot, 1 - slot):
            probs_copy(s).wait()
            for cp in out_copies(s):
                cp.wait()


def kernel(feature_vec, bboxes, bbox_indices, W1, b1, W2, b2, Wl1, bl1, Wf, bf):
    centers = (bboxes[:, 0:2] + bboxes[:, 2:4]) * 0.5
    keyv = centers[:, 0] + 1e-3 * centers[:, 1]
    order = jnp.argsort(keyv)

    x_s = feature_vec[order]
    bs = bboxes[order]
    idx_s = bbox_indices[order].astype(jnp.int32)

    pad = NPAD - N
    x_s = jnp.pad(x_s, ((0, pad), (0, 0)))
    bs = jnp.pad(bs, ((0, pad), (0, 0)))
    idx_s = jnp.pad(idx_s, (0, pad)).reshape(NPAD, 1)

    full = lambda shape: pl.BlockSpec(shape, lambda: tuple(0 for _ in shape))

    A, B = pl.pallas_call(
        _node_kernel,
        out_shape=(
            jax.ShapeDtypeStruct((NPAD, D_MODEL), jnp.float32),
            jax.ShapeDtypeStruct((NPAD, D_MODEL), jnp.float32),
        ),
        in_specs=[full((NPAD, D_IN)), full((D_IN, D_MODEL)),
                  full((1, D_MODEL)), full((D_MODEL, D_MODEL)),
                  full((1, D_MODEL)), full((D_MODEL, D_MODEL)),
                  full((D_MODEL, D_MODEL))],
        out_specs=(full((NPAD, D_MODEL)), full((NPAD, D_MODEL))),
    )(x_s, W1, b1.reshape(1, -1), W2, b2.reshape(1, -1),
      Wl1[:D_MODEL], Wl1[D_MODEL:])

    cfull = lambda shape: pl.BlockSpec(shape, lambda b, c: tuple(0 for _ in shape))
    anyspec = pl.BlockSpec(memory_space=pl.MemorySpace.ANY)
    probs, bbox_pairs, bbox_index_pairs = pl.pallas_call(
        _edge_kernel,
        grid=(NBLK, NCH),
        out_shape=(
            jax.ShapeDtypeStruct((E, NUM_CLASSES), jnp.float32),
            jax.ShapeDtypeStruct((E, 8), jnp.float32),
            jax.ShapeDtypeStruct((E, 2), jnp.int32),
        ),
        in_specs=[cfull((NPAD, D_MODEL)), cfull((NPAD, D_MODEL)),
                  cfull((NPAD, 4)), cfull((NPAD, 1)),
                  cfull((1, D_MODEL)), cfull((D_MODEL, NUM_CLASSES)),
                  cfull((1, NUM_CLASSES))],
        out_specs=(anyspec, anyspec, anyspec),
        scratch_shapes=[
            pltpu.VMEM((2, CHUNK, NUM_CLASSES), jnp.float32),
            pltpu.VMEM((2, CHUNK, 8), jnp.float32),
            pltpu.VMEM((2, CHUNK, 2), jnp.int32),
            pltpu.SemaphoreType.DMA((2,)),
            pltpu.SemaphoreType.DMA((2,)),
            pltpu.SemaphoreType.DMA((2,)),
        ],
    )(A, B, bs, idx_s, bl1.reshape(1, -1), Wf, bf.reshape(1, -1))

    return (probs, bbox_pairs, bbox_index_pairs)

# --- scband reference (transcript-rebuilt; emitter-appended) ---
"""Pipeline reference for scband-graph-network-76725295776241 (READ-ONLY COPY).

The authoritative reference and input builder live on the scoring server;
editing this copy changes nothing except your own understanding.
"""

import jax, jax.numpy as jnp
import numpy as np

N = 10000
K = 16
D_IN = 8
D_MODEL = 128
NUM_CLASSES = 16


def get_pseudo_knn(bboxes, k=K):
    # pseudo-kNN: sort boxes by center x (tie-broken by y), connect each node
    # to its k successors in sorted order, bidirectionally.
    centers = (bboxes[:, 0:2] + bboxes[:, 2:4]) * 0.5
    keyv = centers[:, 0] + 1e-3 * centers[:, 1]
    order = jnp.argsort(keyv)
    srcs, dsts = [], []
    for off in range(1, k + 1):
        s = order[:-off]
        d = order[off:]
        srcs.append(s); dsts.append(d)
        srcs.append(d); dsts.append(s)
    src = jnp.concatenate(srcs)
    dst = jnp.concatenate(dsts)
    return jnp.stack([src, dst], axis=0)


def gcn_conv(x, edge_index, W, b):
    # GCNConv with self loops and symmetric normalization
    n = x.shape[0]
    loop = jnp.arange(n)
    src = jnp.concatenate([edge_index[0], loop])
    dst = jnp.concatenate([edge_index[1], loop])
    deg = jnp.zeros((n,), jnp.float32).at[dst].add(1.0)
    dinv = jax.lax.rsqrt(jnp.maximum(deg, 1.0))
    norm = dinv[src] * dinv[dst]
    h = x @ W
    msg = h[src] * norm[:, None]
    out = jax.ops.segment_sum(msg, dst, num_segments=n)
    return out + b


def setup_inputs(seed: int = 0) -> dict:
    key = jax.random.key(seed)
    ks = jax.random.split(key, 12)
    feature_vec = jax.random.normal(ks[0], (N, D_IN), jnp.float32)
    bboxes = jax.random.uniform(ks[1], (N, 4), jnp.float32)
    bbox_indices = jnp.arange(N)
    W1 = jax.random.normal(ks[2], (D_IN, D_MODEL), jnp.float32) / np.sqrt(D_IN)
    b1 = jnp.zeros((D_MODEL,), jnp.float32)
    W2 = jax.random.normal(ks[3], (D_MODEL, D_MODEL), jnp.float32) / np.sqrt(D_MODEL)
    b2 = jnp.zeros((D_MODEL,), jnp.float32)
    Wl1 = jax.random.normal(ks[4], (2 * D_MODEL, D_MODEL), jnp.float32) / np.sqrt(2 * D_MODEL)
    bl1 = jnp.zeros((D_MODEL,), jnp.float32)
    Wf = jax.random.normal(ks[5], (D_MODEL, NUM_CLASSES), jnp.float32) / np.sqrt(D_MODEL)
    bf = jnp.zeros((NUM_CLASSES,), jnp.float32)
    return {"feature_vec": feature_vec, "bboxes": bboxes, "bbox_indices": bbox_indices,
            "W1": W1, "b1": b1, "W2": W2, "b2": b2, "Wl1": Wl1, "bl1": bl1, "Wf": Wf, "bf": bf}


def reference(feature_vec, bboxes, bbox_indices, W1, b1, W2, b2, Wl1, bl1, Wf, bf):
    edge_index = get_pseudo_knn(bboxes)
    x = jax.nn.relu(gcn_conv(feature_vec, edge_index, W1, b1))
    x = jax.nn.relu(gcn_conv(x, edge_index, W2, b2))
    x1 = x[edge_index[0]]
    x2 = x[edge_index[1]]
    xpair = jnp.concatenate([x1, x2], axis=-1)
    xpair = jax.nn.relu(xpair @ Wl1 + bl1)
    xfin = xpair @ Wf + bf
    probs = jax.nn.log_softmax(xfin, axis=-1)
    bbox_pairs = jnp.concatenate([bboxes[edge_index[0]], bboxes[edge_index[1]]], axis=-1)
    bbox_index_pairs = jnp.stack([bbox_indices[edge_index[0]], bbox_indices[edge_index[1]]], axis=1)
    return (probs, bbox_pairs, bbox_index_pairs)

if __name__ == "__main__":
    import jax
    _d = setup_inputs()
    print(jax.jit(kernel)(*tuple(_d.values())))

</pallas_src>

<mosaic_0001>
module attributes {stable_mosaic.version = 14 : i64} {
  func.func @_node_kernel(%arg0: memref<10240x8xf32, #tpu.memory_space<vmem>>, %arg1: memref<8x128xf32, #tpu.memory_space<vmem>>, %arg2: memref<1x128xf32, #tpu.memory_space<vmem>>, %arg3: memref<128x128xf32, #tpu.memory_space<vmem>>, %arg4: memref<1x128xf32, #tpu.memory_space<vmem>>, %arg5: memref<128x128xf32, #tpu.memory_space<vmem>>, %arg6: memref<128x128xf32, #tpu.memory_space<vmem>>, %arg7: memref<10240x128xf32, #tpu.memory_space<vmem>>, %arg8: memref<10240x128xf32, #tpu.memory_space<vmem>>) attributes {dimension_semantics = [], scalar_prefetch = 0 : i64, scratch_operands = 0 : i64, tpu.core_type = #tpu.core_type<tc>} {
    %get3A = arith.constant 0 : index
    %get3A_0 = arith.constant 0 : index
    %get3A_1 = vector.load %arg0[%get3A, %get3A_0] : memref<10240x8xf32, #tpu.memory_space<vmem>>, vector<10240x8xf32>
    %iota3A = tpu.iota {dimensions = array<i32: 0>} : vector<10240x1xi32>
    %convert_element_type3A = arith.sitofp %iota3A : vector<10240x1xi32> to vector<10240x1xf32>
    %min3A = arith.constant 1.600000e+01 : f32
    %min3A_2 = vector.broadcast %min3A : f32 to vector<10240x1xf32>
    %min3A_3 = arith.minimumf %convert_element_type3A, %min3A_2 : vector<10240x1xf32>
    %sub3A = arith.constant 9.999000e+03 : f32
    %sub3A_4 = vector.broadcast %sub3A : f32 to vector<10240x1xf32>
    %sub3A_5 = arith.subf %sub3A_4, %convert_element_type3A : vector<10240x1xf32>
    %min3A_6 = arith.constant 1.600000e+01 : f32
    %min3A_7 = vector.broadcast %min3A_6 : f32 to vector<10240x1xf32>
    %min3A_8 = arith.minimumf %sub3A_5, %min3A_7 : vector<10240x1xf32>
    %add3A = arith.addf %min3A_3, %min3A_8 : vector<10240x1xf32>
    %add3A_9 = arith.constant 1.000000e+00 : f32
    %add3A_10 = vector.broadcast %add3A_9 : f32 to vector<10240x1xf32>
    %add3A_11 = arith.addf %add3A, %add3A_10 : vector<10240x1xf32>
    %lt3A = arith.constant 1.000000e+04 : f32
    %lt3A_12 = vector.broadcast %lt3A : f32 to vector<10240x1xf32>
    %lt3A_13 = arith.cmpf olt, %convert_element_type3A, %lt3A_12 : vector<10240x1xf32>
    %max3A = arith.constant 1.000000e+00 : f32
    %max3A_14 = vector.broadcast %max3A : f32 to vector<10240x1xf32>
    %max3A_15 = arith.maximumf %add3A_11, %max3A_14 : vector<10240x1xf32>
    %rsqrt3A = math.rsqrt %max3A_15 : vector<10240x1xf32>
    %jit3A = arith.constant 0.000000e+00 : f32
    %broadcast_in_dim3A = vector.broadcast %jit3A : f32 to vector<10240x1xf32>
    %select_n3A = arith.select %lt3A_13, %rsqrt3A, %broadcast_in_dim3A : vector<10240x1xi1>, vector<10240x1xf32>
    %get3A_16 = arith.constant 0 : index
    %get3A_17 = arith.constant 0 : index
    %get3A_18 = vector.load %arg1[%get3A_16, %get3A_17] : memref<8x128xf32, #tpu.memory_space<vmem>>, vector<8x128xf32>
    %dot_general3A = arith.constant dense<0.000000e+00> : vector<10240x128xf32>
    %dot_general3A_19 = tpu.matmul %get3A_1, %get3A_18, %dot_general3A {dimension_numbers = #tpu.dot_dimension_numbers<[1], [0], [0], [1], [0, 0, 1, 1], [], []>, transpose_lhs_hint = false} : vector<10240x8xf32>, vector<8x128xf32>, vector<10240x128xf32> -> vector<10240x128xf32>
    %get3A_20 = arith.constant 0 : index
    %get3A_21 = arith.constant 0 : index
    %get3A_22 = vector.load %arg2[%get3A_20, %get3A_21] : memref<1x128xf32, #tpu.memory_space<vmem>>, vector<1x128xf32>
    %mul3A = vector.broadcast %select_n3A : vector<10240x1xf32> to vector<10240x128xf32>
    %mul3A_23 = arith.mulf %mul3A, %dot_general3A_19 : vector<10240x128xf32>
    %broadcast_in_dim3A_24 = arith.constant 0.000000e+00 : f32
    %broadcast_in_dim3A_25 = vector.broadcast %broadcast_in_dim3A_24 : f32 to vector<16x128xf32>
    %slice3A = vector.extract_strided_slice %mul3A_23 {offsets = [0, 0], sizes = [10224, 128], strides = [1, 1]} : vector<10240x128xf32> to vector<10224x128xf32>
    %concatenate3A = tpu.concatenate %broadcast_in_dim3A_25, %slice3A in 0 : vector<16x128xf32>, vector<10224x128xf32> -> vector<10240x128xf32>
    %slice3A_26 = vector.extract_strided_slice %concatenate3A {offsets = [1, 0], sizes = [10239, 128], strides = [1, 1]} : vector<10240x128xf32> to vector<10239x128xf32>
    %broadcast_in_dim3A_27 = arith.constant 0.000000e+00 : f32
    %broadcast_in_dim3A_28 = vector.broadcast %broadcast_in_dim3A_27 : f32 to vector<1x128xf32>
    %concatenate3A_29 = tpu.concatenate %slice3A_26, %broadcast_in_dim3A_28 in 0 : vector<10239x128xf32>, vector<1x128xf32> -> vector<10240x128xf32>
    %add3A_30 = arith.addf %concatenate3A, %concatenate3A_29 : vector<10240x128xf32>
    %slice3A_31 = vector.extract_strided_slice %add3A_30 {offsets = [2, 0], sizes = [10238, 128], strides = [1, 1]} : vector<10240x128xf32> to vector<10238x128xf32>
    %broadcast_in_dim3A_32 = arith.constant 0.000000e+00 : f32
    %broadcast_in_dim3A_33 = vector.broadcast %broadcast_in_dim3A_32 : f32 to vector<2x128xf32>
    %concatenate3A_34 = tpu.concatenate %slice3A_31, %broadcast_in_dim3A_33 in 0 : vector<10238x128xf32>, vector<2x128xf32> -> vector<10240x128xf32>
    %add3A_35 = arith.addf %add3A_30, %concatenate3A_34 : vector<10240x128xf32>
    %slice3A_36 = vector.extract_strided_slice %add3A_35 {offsets = [4, 0], sizes = [10236, 128], strides = [1, 1]} : vector<10240x128xf32> to vector<10236x128xf32>
    %broadcast_in_dim3A_37 = arith.constant 0.000000e+00 : f32
    %broadcast_in_dim3A_38 = vector.broadcast %broadcast_in_dim3A_37 : f32 to vector<4x128xf32>
    %concatenate3A_39 = tpu.concatenate %slice3A_36, %broadcast_in_dim3A_38 in 0 : vector<10236x128xf32>, vector<4x128xf32> -> vector<10240x128xf32>
    %add3A_40 = arith.addf %add3A_35, %concatenate3A_39 : vector<10240x128xf32>
    %slice3A_41 = vector.extract_strided_slice %add3A_40 {offsets = [8, 0], sizes = [10232, 128], strides = [1, 1]} : vector<10240x128xf32> to vector<10232x128xf32>
    %broadcast_in_dim3A_42 = arith.constant 0.000000e+00 : f32
    %broadcast_in_dim3A_43 = vector.broadcast %broadcast_in_dim3A_42 : f32 to vector<8x128xf32>
    %concatenate3A_44 = tpu.concatenate %slice3A_41, %broadcast_in_dim3A_43 in 0 : vector<10232x128xf32>, vector<8x128xf32> -> vector<10240x128xf32>
    %add3A_45 = arith.addf %add3A_40, %concatenate3A_44 : vector<10240x128xf32>
    %slice3A_46 = vector.extract_strided_slice %add3A_45 {offsets = [16, 0], sizes = [10224, 128], strides = [1, 1]} : vector<10240x128xf32> to vector<10224x128xf32>
    %broadcast_in_dim3A_47 = arith.constant 0.000000e+00 : f32
    %broadcast_in_dim3A_48 = vector.broadcast %broadcast_in_dim3A_47 : f32 to vector<16x128xf32>
    %concatenate3A_49 = tpu.concatenate %slice3A_46, %broadcast_in_dim3A_48 in 0 : vector<10224x128xf32>, vector<16x128xf32> -> vector<10240x128xf32>
    %add3A_50 = arith.addf %add3A_45, %concatenate3A_49 : vector<10240x128xf32>
    %slice3A_51 = vector.extract_strided_slice %concatenate3A {offsets = [32, 0], sizes = [10208, 128], strides = [1, 1]} : vector<10240x128xf32> to vector<10208x128xf32>
    %broadcast_in_dim3A_52 = arith.constant 0.000000e+00 : f32
    %broadcast_in_dim3A_53 = vector.broadcast %broadcast_in_dim3A_52 : f32 to vector<32x128xf32>
    %concatenate3A_54 = tpu.concatenate %slice3A_51, %broadcast_in_dim3A_53 in 0 : vector<10208x128xf32>, vector<32x128xf32> -> vector<10240x128xf32>
    %add3A_55 = arith.addf %add3A_50, %concatenate3A_54 : vector<10240x128xf32>
    %mul3A_56 = vector.broadcast %select_n3A : vector<10240x1xf32> to vector<10240x128xf32>
    %mul3A_57 = arith.mulf %mul3A_56, %add3A_55 : vector<10240x128xf32>
    %add3A_58 = vector.broadcast %get3A_22 : vector<1x128xf32> to vector<10240x128xf32>
    %add3A_59 = arith.addf %mul3A_57, %add3A_58 : vector<10240x128xf32>
    %max3A_60 = arith.constant 0.000000e+00 : f32
    %max3A_61 = vector.broadcast %max3A_60 : f32 to vector<10240x128xf32>
    %max3A_62 = arith.maximumf %add3A_59, %max3A_61 : vector<10240x128xf32>
    %get3A_63 = arith.constant 0 : index
    %get3A_64 = arith.constant 0 : index
    %get3A_65 = vector.load %arg3[%get3A_63, %get3A_64] : memref<128x128xf32, #tpu.memory_space<vmem>>, vector<128x128xf32>
    %dot_general3A_66 = arith.constant dense<0.000000e+00> : vector<10240x128xf32>
    %dot_general3A_67 = tpu.matmul %max3A_62, %get3A_65, %dot_general3A_66 {dimension_numbers = #tpu.dot_dimension_numbers<[1], [0], [0], [1], [0, 0, 1, 1], [], []>, transpose_lhs_hint = false} : vector<10240x128xf32>, vector<128x128xf32>, vector<10240x128xf32> -> vector<10240x128xf32>
    %get3A_68 = arith.constant 0 : index
    %get3A_69 = arith.constant 0 : index
    %get3A_70 = vector.load %arg4[%get3A_68, %get3A_69] : memref<1x128xf32, #tpu.memory_space<vmem>>, vector<1x128xf32>
    %mul3A_71 = vector.broadcast %select_n3A : vector<10240x1xf32> to vector<10240x128xf32>
    %mul3A_72 = arith.mulf %mul3A_71, %dot_general3A_67 : vector<10240x128xf32>
    %broadcast_in_dim3A_73 = arith.constant 0.000000e+00 : f32
    %broadcast_in_dim3A_74 = vector.broadcast %broadcast_in_dim3A_73 : f32 to vector<16x128xf32>
    %slice3A_75 = vector.extract_strided_slice %mul3A_72 {offsets = [0, 0], sizes = [10224, 128], strides = [1, 1]} : vector<10240x128xf32> to vector<10224x128xf32>
    %concatenate3A_76 = tpu.concatenate %broadcast_in_dim3A_74, %slice3A_75 in 0 : vector<16x128xf32>, vector<10224x128xf32> -> vector<10240x128xf32>
    %slice3A_77 = vector.extract_strided_slice %concatenate3A_76 {offsets = [1, 0], sizes = [10239, 128], strides = [1, 1]} : vector<10240x128xf32> to vector<10239x128xf32>
    %broadcast_in_dim3A_78 = arith.constant 0.000000e+00 : f32
    %broadcast_in_dim3A_79 = vector.broadcast %broadcast_in_dim3A_78 : f32 to vector<1x128xf32>
    %concatenate3A_80 = tpu.concatenate %slice3A_77, %broadcast_in_dim3A_79 in 0 : vector<10239x128xf32>, vector<1x128xf32> -> vector<10240x128xf32>
    %add3A_81 = arith.addf %concatenate3A_76, %concatenate3A_80 : vector<10240x128xf32>
    %slice3A_82 = vector.extract_strided_slice %add3A_81 {offsets = [2, 0], sizes = [10238, 128], strides = [1, 1]} : vector<10240x128xf32> to vector<10238x128xf32>
    %broadcast_in_dim3A_83 = arith.constant 0.000000e+00 : f32
    %broadcast_in_dim3A_84 = vector.broadcast %broadcast_in_dim3A_83 : f32 to vector<2x128xf32>
    %concatenate3A_85 = tpu.concatenate %slice3A_82, %broadcast_in_dim3A_84 in 0 : vector<10238x128xf32>, vector<2x128xf32> -> vector<10240x128xf32>
    %add3A_86 = arith.addf %add3A_81, %concatenate3A_85 : vector<10240x128xf32>
    %slice3A_87 = vector.extract_strided_slice %add3A_86 {offsets = [4, 0], sizes = [10236, 128], strides = [1, 1]} : vector<10240x128xf32> to vector<10236x128xf32>
    %broadcast_in_dim3A_88 = arith.constant 0.000000e+00 : f32
    %broadcast_in_dim3A_89 = vector.broadcast %broadcast_in_dim3A_88 : f32 to vector<4x128xf32>
    %concatenate3A_90 = tpu.concatenate %slice3A_87, %broadcast_in_dim3A_89 in 0 : vector<10236x128xf32>, vector<4x128xf32> -> vector<10240x128xf32>
    %add3A_91 = arith.addf %add3A_86, %concatenate3A_90 : vector<10240x128xf32>
    %slice3A_92 = vector.extract_strided_slice %add3A_91 {offsets = [8, 0], sizes = [10232, 128], strides = [1, 1]} : vector<10240x128xf32> to vector<10232x128xf32>
    %broadcast_in_dim3A_93 = arith.constant 0.000000e+00 : f32
    %broadcast_in_dim3A_94 = vector.broadcast %broadcast_in_dim3A_93 : f32 to vector<8x128xf32>
    %concatenate3A_95 = tpu.concatenate %slice3A_92, %broadcast_in_dim3A_94 in 0 : vector<10232x128xf32>, vector<8x128xf32> -> vector<10240x128xf32>
    %add3A_96 = arith.addf %add3A_91, %concatenate3A_95 : vector<10240x128xf32>
    %slice3A_97 = vector.extract_strided_slice %add3A_96 {offsets = [16, 0], sizes = [10224, 128], strides = [1, 1]} : vector<10240x128xf32> to vector<10224x128xf32>
    %broadcast_in_dim3A_98 = arith.constant 0.000000e+00 : f32
    %broadcast_in_dim3A_99 = vector.broadcast %broadcast_in_dim3A_98 : f32 to vector<16x128xf32>
    %concatenate3A_100 = tpu.concatenate %slice3A_97, %broadcast_in_dim3A_99 in 0 : vector<10224x128xf32>, vector<16x128xf32> -> vector<10240x128xf32>
    %add3A_101 = arith.addf %add3A_96, %concatenate3A_100 : vector<10240x128xf32>
    %slice3A_102 = vector.extract_strided_slice %concatenate3A_76 {offsets = [32, 0], sizes = [10208, 128], strides = [1, 1]} : vector<10240x128xf32> to vector<10208x128xf32>
    %broadcast_in_dim3A_103 = arith.constant 0.000000e+00 : f32
    %broadcast_in_dim3A_104 = vector.broadcast %broadcast_in_dim3A_103 : f32 to vector<32x128xf32>
    %concatenate3A_105 = tpu.concatenate %slice3A_102, %broadcast_in_dim3A_104 in 0 : vector<10208x128xf32>, vector<32x128xf32> -> vector<10240x128xf32>
    %add3A_106 = arith.addf %add3A_101, %concatenate3A_105 : vector<10240x128xf32>
    %mul3A_107 = vector.broadcast %select_n3A : vector<10240x1xf32> to vector<10240x128xf32>
    %mul3A_108 = arith.mulf %mul3A_107, %add3A_106 : vector<10240x128xf32>
    %add3A_109 = vector.broadcast %get3A_70 : vector<1x128xf32> to vector<10240x128xf32>
    %add3A_110 = arith.addf %mul3A_108, %add3A_109 : vector<10240x128xf32>
    %max3A_111 = arith.constant 0.000000e+00 : f32
    %max3A_112 = vector.broadcast %max3A_111 : f32 to vector<10240x128xf32>
    %max3A_113 = arith.maximumf %add3A_110, %max3A_112 : vector<10240x128xf32>
    %get3A_114 = arith.constant 0 : index
    %get3A_115 = arith.constant 0 : index
    %get3A_116 = vector.load %arg5[%get3A_114, %get3A_115] : memref<128x128xf32, #tpu.memory_space<vmem>>, vector<128x128xf32>
    %dot_general3A_117 = arith.constant dense<0.000000e+00> : vector<10240x128xf32>
    %dot_general3A_118 = tpu.matmul %max3A_113, %get3A_116, %dot_general3A_117 {dimension_numbers = #tpu.dot_dimension_numbers<[1], [0], [0], [1], [0, 0, 1, 1], [], []>, transpose_lhs_hint = false} : vector<10240x128xf32>, vector<128x128xf32>, vector<10240x128xf32> -> vector<10240x128xf32>
    %swap3A = arith.constant 0 : index
    %swap3A_119 = arith.constant 0 : index
    %swap3A_120 = vector.load %arg7[%swap3A, %swap3A_119] : memref<10240x128xf32, #tpu.memory_space<vmem>>, vector<10240x128xf32>
    tpu.vector_store %arg7[%swap3A, %swap3A_119], %dot_general3A_118 {strides = array<i32>} : memref<10240x128xf32, #tpu.memory_space<vmem>>, vector<10240x128xf32>,
    %get3A_121 = arith.constant 0 : index
    %get3A_122 = arith.constant 0 : index
    %get3A_123 = vector.load %arg6[%get3A_121, %get3A_122] : memref<128x128xf32, #tpu.memory_space<vmem>>, vector<128x128xf32>
    %dot_general3A_124 = arith.constant dense<0.000000e+00> : vector<10240x128xf32>
    %dot_general3A_125 = tpu.matmul %max3A_113, %get3A_123, %dot_general3A_124 {dimension_numbers = #tpu.dot_dimension_numbers<[1], [0], [0], [1], [0, 0, 1, 1], [], []>, transpose_lhs_hint = false} : vector<10240x128xf32>, vector<128x128xf32>, vector<10240x128xf32> -> vector<10240x128xf32>
    %swap3A_126 = arith.constant 0 : index
    %swap3A_127 = arith.constant 0 : index
    %swap3A_128 = vector.load %arg8[%swap3A_126, %swap3A_127] : memref<10240x128xf32, #tpu.memory_space<vmem>>, vector<10240x128xf32>
    tpu.vector_store %arg8[%swap3A_126, %swap3A_127], %dot_general3A_125 {strides = array<i32>} : memref<10240x128xf32, #tpu.memory_space<vmem>>, vector<10240x128xf32>,
    return
  }
}

module attributes {stable_mosaic.version = 14 : i64} {
  func.func @_edge_kernel(%arg0: i32, %arg1: i32, %arg2: memref<10240x128xf32, #tpu.memory_space<vmem>>, %arg3: memref<10240x128xf32, #tpu.memory_space<vmem>>, %arg4: memref<10240x4xf32, #tpu.memory_space<vmem>>, %arg5: memref<10240x1xi32, #tpu.memory_space<vmem>>, %arg6: memref<1x128xf32, #tpu.memory_space<vmem>>, %arg7: memref<128x16xf32, #tpu.memory_space<vmem>>, %arg8: memref<1x16xf32, #tpu.memory_space<vmem>>, %arg9: memref<319728x16xf32, #tpu.memory_space<any>>, %arg10: memref<319728x8xf32, #tpu.memory_space<any>>, %arg11: memref<319728x2xi32, #tpu.memory_space<any>>, %arg12: memref<2x5008x16xf32, #tpu.memory_space<vmem>>, %arg13: memref<2x5008x8xf32, #tpu.memory_space<vmem>>, %arg14: memref<2x5008x2xi32, #tpu.memory_space<vmem>>, %arg15: memref<2x!tpu.dma_semaphore, #tpu.memory_space<semaphore_mem>>, %arg16: memref<2x!tpu.dma_semaphore, #tpu.memory_space<semaphore_mem>>, %arg17: memref<2x!tpu.dma_semaphore, #tpu.memory_space<semaphore_mem>>) attributes {dimension_semantics = [#tpu.dimension_semantics<arbitrary>, #tpu.dimension_semantics<arbitrary>], iteration_bounds = array<i64: 32, 2>, scalar_prefetch = 0 : i64, scratch_operands = 6 : i64, tpu.core_type = #tpu.core_type<tc>, window_params = [{pipeline_mode = #tpu.pipeline_mode<synchronous>, transform_indices = @transform_0, window_bounds = array<i64: 10240, 128>}, {pipeline_mode = #tpu.pipeline_mode<synchronous>, transform_indices = @transform_1, window_bounds = array<i64: 10240, 128>}, {pipeline_mode = #tpu.pipeline_mode<synchronous>, transform_indices = @transform_2, window_bounds = array<i64: 10240, 4>}, {pipeline_mode = #tpu.pipeline_mode<synchronous>, transform_indices = @transform_3, window_bounds = array<i64: 10240, 1>}, {pipeline_mode = #tpu.pipeline_mode<synchronous>, transform_indices = @transform_4, window_bounds = array<i64: 1, 128>}, {pipeline_mode = #tpu.pipeline_mode<synchronous>, transform_indices = @transform_5, window_bounds = array<i64: 128, 16>}, {pipeline_mode = #tpu.pipeline_mode<synchronous>, transform_indices = @transform_6, window_bounds = array<i64: 1, 16>}, {}, {}, {}]} {
    %mul3A = arith.constant 2 : i32
    %mul3A_0 = arith.muli %arg0, %mul3A : i32
    %add3A = arith.addi %mul3A_0, %arg1 : i32
    %rem3A = arith.constant 2 : i32
    %rem3A_1 = arith.remsi %add3A, %rem3A : i32
    %jit3A = arith.constant 2 : i32
    %div3A = arith.divsi %arg0, %jit3A : i32
    %sign3A = arith.constant 0 : i32
    %sign3A_2 = arith.cmpi sgt, %arg0, %sign3A : i32
    %sign3A_3 = arith.extui %sign3A_2 : i1 to i32
    %sign3A_4 = arith.constant 0 : i32
    %sign3A_5 = arith.cmpi slt, %arg0, %sign3A_4 : i32
    %sign3A_6 = arith.extui %sign3A_5 : i1 to i32
    %sign3A_7 = arith.subi %sign3A_3, %sign3A_6 : i32
    %sign3A_8 = arith.constant 0 : i32
    %sign3A_9 = arith.cmpi sgt, %jit3A, %sign3A_8 : i32
    %sign3A_10 = arith.extui %sign3A_9 : i1 to i32
    %sign3A_11 = arith.constant 0 : i32
    %sign3A_12 = arith.cmpi slt, %jit3A, %sign3A_11 : i32
    %sign3A_13 = arith.extui %sign3A_12 : i1 to i32
    %sign3A_14 = arith.subi %sign3A_10, %sign3A_13 : i32
    %ne3A = arith.cmpi ne, %sign3A_7, %sign3A_14 : i32
    %rem3A_15 = arith.remsi %arg0, %jit3A : i32
    %ne3A_16 = arith.constant 0 : i32
    %ne3A_17 = arith.cmpi ne, %rem3A_15, %ne3A_16 : i32
    %and3A = arith.andi %ne3A, %ne3A_17 : i1
    %sub3A = arith.constant 1 : i32
    %sub3A_18 = arith.subi %div3A, %sub3A : i32
    %select_n3A = arith.select %and3A, %sub3A_18, %div3A : i32
    %add3A_19 = arith.constant 1 : i32
    %add3A_20 = arith.addi %select_n3A, %add3A_19 : i32
    %rem3A_21 = arith.constant 2 : i32
    %rem3A_22 = arith.remsi %arg0, %rem3A_21 : i32
    %sub3A_23 = arith.constant 10000 : i32
    %sub3A_24 = arith.subi %sub3A_23, %add3A_20 : i32
    %mul3A_25 = arith.constant 2 : i32
    %mul3A_26 = arith.muli %mul3A_25, %select_n3A : i32
    %mul3A_27 = arith.constant 10000 : i32
    %mul3A_28 = arith.muli %mul3A_26, %mul3A_27 : i32
    %add3A_29 = arith.constant 1 : i32
    %add3A_30 = arith.addi %select_n3A, %add3A_29 : i32
    %mul3A_31 = arith.muli %select_n3A, %add3A_30 : i32
    %sub3A_32 = arith.subi %mul3A_28, %mul3A_31 : i32
    %mul3A_33 = arith.muli %rem3A_22, %sub3A_24 : i32
    %add3A_34 = arith.addi %sub3A_32, %mul3A_33 : i32
    %mul3A_35 = arith.constant 5008 : i32
    %mul3A_36 = arith.muli %arg1, %mul3A_35 : i32
    %sub3A_37 = arith.constant 5008 : i32
    %sub3A_38 = arith.subi %sub3A_24, %sub3A_37 : i32
    %min3A = arith.minsi %mul3A_36, %sub3A_38 : i32
    %add3A_39 = arith.addi %add3A_34, %min3A : i32
    %mul3A_40 = arith.muli %rem3A_22, %add3A_20 : i32
    %add3A_41 = arith.addi %min3A, %mul3A_40 : i32
    %sub3A_42 = arith.constant 1 : i32
    %sub3A_43 = arith.subi %sub3A_42, %rem3A_22 : i32
    %mul3A_44 = arith.muli %sub3A_43, %add3A_20 : i32
    %add3A_45 = arith.addi %min3A, %mul3A_44 : i32
    %ge3A = arith.constant 2 : i32
    %ge3A_46 = arith.cmpi sge, %add3A, %ge3A : i32
    %convert_element_type3A = arith.extui %ge3A_46 : i1 to i32
    %cond3A = arith.constant 0 : i32
    %cond3A_47 = arith.cmpi ne, %convert_element_type3A, %cond3A : i32
    scf.if %cond3A_47 {
      %dma_wait3A = tpu.memref_slice %arg15[%rem3A_1] : memref<2x!tpu.dma_semaphore, #tpu.memory_space<semaphore_mem>> -> memref<1x!tpu.dma_semaphore, #tpu.memory_space<semaphore_mem>>
      %dma_wait3A_137 = tpu.memref_squeeze %dma_wait3A : memref<1x!tpu.dma_semaphore, #tpu.memory_space<semaphore_mem>> -> memref<!tpu.dma_semaphore, #tpu.memory_space<semaphore_mem>>
      %dma_wait3A_138 = arith.constant 0 : i32
      %dma_wait3A_139 = tpu.memref_slice %arg9[%add3A_39, %dma_wait3A_138] : memref<319728x16xf32, #tpu.memory_space<any>> -> memref<5008x16xf32, #tpu.memory_space<any>>
      %dma_wait3A_140 = arith.constant 0 : i32
      %dma_wait3A_141 = arith.constant 0 : i32
      %dma_wait3A_142 = tpu.memref_slice %arg12[%rem3A_1, %dma_wait3A_140, %dma_wait3A_141] : memref<2x5008x16xf32, #tpu.memory_space<vmem>> -> memref<1x5008x16xf32, #tpu.memory_space<vmem>>
      %dma_wait3A_143 = tpu.memref_squeeze %dma_wait3A_142 : memref<1x5008x16xf32, #tpu.memory_space<vmem>> -> memref<5008x16xf32, #tpu.memory_space<vmem>>
      tpu.wait_dma2 semaphore(%dma_wait3A_137 : memref<!tpu.dma_semaphore, #tpu.memory_space<semaphore_mem>>) src(%dma_wait3A_143 : memref<5008x16xf32, #tpu.memory_space<vmem>>) dst(%dma_wait3A_139 : memref<5008x16xf32, #tpu.memory_space<any>>)
      %dma_wait3A_144 = tpu.memref_slice %arg16[%rem3A_1] : memref<2x!tpu.dma_semaphore, #tpu.memory_space<semaphore_mem>> -> memref<1x!tpu.dma_semaphore, #tpu.memory_space<semaphore_mem>>
      %dma_wait3A_145 = tpu.memref_squeeze %dma_wait3A_144 : memref<1x!tpu.dma_semaphore, #tpu.memory_space<semaphore_mem>> -> memref<!tpu.dma_semaphore, #tpu.memory_space<semaphore_mem>>
      %dma_wait3A_146 = arith.constant 0 : i32
      %dma_wait3A_147 = tpu.memref_slice %arg10[%add3A_39, %dma_wait3A_146] : memref<319728x8xf32, #tpu.memory_space<any>> -> memref<5008x8xf32, #tpu.memory_space<any>>
      %dma_wait3A_148 = arith.constant 0 : i32
      %dma_wait3A_149 = arith.constant 0 : i32
      %dma_wait3A_150 = tpu.memref_slice %arg13[%rem3A_1, %dma_wait3A_148, %dma_wait3A_149] : memref<2x5008x8xf32, #tpu.memory_space<vmem>> -> memref<1x5008x8xf32, #tpu.memory_space<vmem>>
      %dma_wait3A_151 = tpu.memref_squeeze %dma_wait3A_150 : memref<1x5008x8xf32, #tpu.memory_space<vmem>> -> memref<5008x8xf32, #tpu.memory_space<vmem>>
      tpu.wait_dma2 semaphore(%dma_wait3A_145 : memref<!tpu.dma_semaphore, #tpu.memory_space<semaphore_mem>>) src(%dma_wait3A_151 : memref<5008x8xf32, #tpu.memory_space<vmem>>) dst(%dma_wait3A_147 : memref<5008x8xf32, #tpu.memory_space<any>>)
      %dma_wait3A_152 = tpu.memref_slice %arg17[%rem3A_1] : memref<2x!tpu.dma_semaphore, #tpu.memory_space<semaphore_mem>> -> memref<1x!tpu.dma_semaphore, #tpu.memory_space<semaphore_mem>>
      %dma_wait3A_153 = tpu.memref_squeeze %dma_wait3A_152 : memref<1x!tpu.dma_semaphore, #tpu.memory_space<semaphore_mem>> -> memref<!tpu.dma_semaphore, #tpu.memory_space<semaphore_mem>>
      %dma_wait3A_154 = arith.constant 0 : i32
      %dma_wait3A_155 = tpu.memref_slice %arg11[%add3A_39, %dma_wait3A_154] : memref<319728x2xi32, #tpu.memory_space<any>> -> memref<5008x2xi32, #tpu.memory_space<any>>
      %dma_wait3A_156 = arith.constant 0 : i32
      %dma_wait3A_157 = arith.constant 0 : i32
      %dma_wait3A_158 = tpu.memref_slice %arg14[%rem3A_1, %dma_wait3A_156, %dma_wait3A_157] : memref<2x5008x2xi32, #tpu.memory_space<vmem>> -> memref<1x5008x2xi32, #tpu.memory_space<vmem>>
      %dma_wait3A_159 = tpu.memref_squeeze %dma_wait3A_158 : memref<1x5008x2xi32, #tpu.memory_space<vmem>> -> memref<5008x2xi32, #tpu.memory_space<vmem>>
      tpu.wait_dma2 semaphore(%dma_wait3A_153 : memref<!tpu.dma_semaphore, #tpu.memory_space<semaphore_mem>>) src(%dma_wait3A_159 : memref<5008x2xi32, #tpu.memory_space<vmem>>) dst(%dma_wait3A_155 : memref<5008x2xi32, #tpu.memory_space<any>>)
    } else {
    }
    %get3A = arith.index_cast %add3A_41 : i32 to index
    %get3A_48 = arith.constant 0 : index
    %get3A_49 = vector.load %arg2[%get3A, %get3A_48] : memref<10240x128xf32, #tpu.memory_space<vmem>>, vector<5008x128xf32>
    %get3A_50 = arith.index_cast %add3A_45 : i32 to index
    %get3A_51 = arith.constant 0 : index
    %get3A_52 = vector.load %arg3[%get3A_50, %get3A_51] : memref<10240x128xf32, #tpu.memory_space<vmem>>, vector<5008x128xf32>
    %add3A_53 = arith.addf %get3A_49, %get3A_52 : vector<5008x128xf32>
    %get3A_54 = arith.constant 0 : index
    %get3A_55 = arith.constant 0 : index
    %get3A_56 = vector.load %arg6[%get3A_54, %get3A_55] : memref<1x128xf32, #tpu.memory_space<vmem>>, vector<1x128xf32>
    %add3A_57 = vector.broadcast %get3A_56 : vector<1x128xf32> to vector<5008x128xf32>
    %add3A_58 = arith.addf %add3A_53, %add3A_57 : vector<5008x128xf32>
    %max3A = arith.constant 0.000000e+00 : f32
    %max3A_59 = vector.broadcast %max3A : f32 to vector<5008x128xf32>
    %max3A_60 = arith.maximumf %add3A_58, %max3A_59 : vector<5008x128xf32>
    %convert_element_type3A_61 = arith.truncf %max3A_60 : vector<5008x128xf32> to vector<5008x128xbf16>
    %get3A_62 = arith.constant 0 : index
    %get3A_63 = arith.constant 0 : index
    %get3A_64 = vector.load %arg7[%get3A_62, %get3A_63] : memref<128x16xf32, #tpu.memory_space<vmem>>, vector<128x16xf32>
    %convert_element_type3A_65 = arith.truncf %get3A_64 : vector<128x16xf32> to vector<128x16xbf16>
    %dot_general3A = arith.constant dense<0.000000e+00> : vector<5008x16xf32>
    %dot_general3A_66 = tpu.matmul %convert_element_type3A_61, %convert_element_type3A_65, %dot_general3A {dimension_numbers = #tpu.dot_dimension_numbers<[1], [0], [0], [1], [0, 0, 1, 1], [], []>, transpose_lhs_hint = false} : vector<5008x128xbf16>, vector<128x16xbf16>, vector<5008x16xf32> -> vector<5008x16xf32>
    %get3A_67 = arith.constant 0 : index
    %get3A_68 = arith.constant 0 : index
    %get3A_69 = vector.load %arg8[%get3A_67, %get3A_68] : memref<1x16xf32, #tpu.memory_space<vmem>>, vector<1x16xf32>
    %add3A_70 = vector.broadcast %get3A_69 : vector<1x16xf32> to vector<5008x16xf32>
    %add3A_71 = arith.addf %dot_general3A_66, %add3A_70 : vector<5008x16xf32>
    %reduce_max3A = arith.constant dense<0xFF800000> : vector<5008xf32>
    %reduce_max3A_72 = vector.multi_reduction <maximumf>, %add3A_71, %reduce_max3A [1] : vector<5008x16xf32> to vector<5008xf32>
    %broadcast_in_dim3A = vector.shape_cast %reduce_max3A_72 : vector<5008xf32> to vector<5008x1xf32>
    %sub3A_73 = vector.broadcast %broadcast_in_dim3A : vector<5008x1xf32> to vector<5008x16xf32>
    %sub3A_74 = arith.subf %add3A_71, %sub3A_73 : vector<5008x16xf32>
    %exp3A = math.exp %sub3A_74 : vector<5008x16xf32>
    %reduce_sum3A = arith.constant dense<0.000000e+00> : vector<5008xf32>
    %reduce_sum3A_75 = vector.multi_reduction <add>, %exp3A, %reduce_sum3A [1] : vector<5008x16xf32> to vector<5008xf32>
    %broadcast_in_dim3A_76 = vector.shape_cast %reduce_sum3A_75 : vector<5008xf32> to vector<5008x1xf32>
    %log3A = math.log %broadcast_in_dim3A_76 : vector<5008x1xf32>
    %add3A_77 = arith.addf %log3A, %broadcast_in_dim3A : vector<5008x1xf32>
    %sub3A_78 = vector.broadcast %add3A_77 : vector<5008x1xf32> to vector<5008x16xf32>
    %sub3A_79 = arith.subf %add3A_71, %sub3A_78 : vector<5008x16xf32>
    %swap3A = arith.index_cast %rem3A_1 : i32 to index
    %swap3A_80 = arith.constant 0 : index
    %swap3A_81 = arith.constant 0 : index
    %swap3A_82 = vector.load %arg12[%swap3A, %swap3A_80, %swap3A_81] : memref<2x5008x16xf32, #tpu.memory_space<vmem>>, vector<1x5008x16xf32>
    %swap3A_83 = vector.shape_cast %swap3A_82 : vector<1x5008x16xf32> to vector<5008x16xf32>
    %swap3A_84 = vector.shape_cast %sub3A_79 : vector<5008x16xf32> to vector<1x5008x16xf32>
    tpu.vector_store %arg12[%swap3A, %swap3A_80, %swap3A_81], %swap3A_84 {strides = array<i32>} : memref<2x5008x16xf32, #tpu.memory_space<vmem>>, vector<1x5008x16xf32>,
    %get3A_85 = arith.index_cast %add3A_41 : i32 to index
    %get3A_86 = arith.constant 0 : index
    %get3A_87 = vector.load %arg4[%get3A_85, %get3A_86] : memref<10240x4xf32, #tpu.memory_space<vmem>>, vector<5008x4xf32>
    %get3A_88 = arith.index_cast %add3A_45 : i32 to index
    %get3A_89 = arith.constant 0 : index
    %get3A_90 = vector.load %arg4[%get3A_88, %get3A_89] : memref<10240x4xf32, #tpu.memory_space<vmem>>, vector<5008x4xf32>
    %concatenate3A = tpu.concatenate %get3A_87, %get3A_90 in 1 : vector<5008x4xf32>, vector<5008x4xf32> -> vector<5008x8xf32>
    %swap3A_91 = arith.index_cast %rem3A_1 : i32 to index
    %swap3A_92 = arith.constant 0 : index
    %swap3A_93 = arith.constant 0 : index
    %swap3A_94 = vector.load %arg13[%swap3A_91, %swap3A_92, %swap3A_93] : memref<2x5008x8xf32, #tpu.memory_space<vmem>>, vector<1x5008x8xf32>
    %swap3A_95 = vector.shape_cast %swap3A_94 : vector<1x5008x8xf32> to vector<5008x8xf32>
    %swap3A_96 = vector.shape_cast %concatenate3A : vector<5008x8xf32> to vector<1x5008x8xf32>
    tpu.vector_store %arg13[%swap3A_91, %swap3A_92, %swap3A_93], %swap3A_96 {strides = array<i32>} : memref<2x5008x8xf32, #tpu.memory_space<vmem>>, vector<1x5008x8xf32>,
    %get3A_97 = arith.index_cast %add3A_41 : i32 to index
    %get3A_98 = arith.constant 0 : index
    %get3A_99 = vector.load %arg5[%get3A_97, %get3A_98] : memref<10240x1xi32, #tpu.memory_space<vmem>>, vector<5008x1xi32>
    %get3A_100 = arith.index_cast %add3A_45 : i32 to index
    %get3A_101 = arith.constant 0 : index
    %get3A_102 = vector.load %arg5[%get3A_100, %get3A_101] : memref<10240x1xi32, #tpu.memory_space<vmem>>, vector<5008x1xi32>
    %concatenate3A_103 = tpu.concatenate %get3A_99, %get3A_102 in 1 : vector<5008x1xi32>, vector<5008x1xi32> -> vector<5008x2xi32>
    %swap3A_104 = arith.index_cast %rem3A_1 : i32 to index
    %swap3A_105 = arith.constant 0 : index
    %swap3A_106 = arith.constant 0 : index
    %swap3A_107 = vector.load %arg14[%swap3A_104, %swap3A_105, %swap3A_106] : memref<2x5008x2xi32, #tpu.memory_space<vmem>>, vector<1x5008x2xi32>
    %swap3A_108 = vector.shape_cast %swap3A_107 : vector<1x5008x2xi32> to vector<5008x2xi32>
    %swap3A_109 = vector.shape_cast %concatenate3A_103 : vector<5008x2xi32> to vector<1x5008x2xi32>
    tpu.vector_store %arg14[%swap3A_104, %swap3A_105, %swap3A_106], %swap3A_109 {strides = array<i32>} : memref<2x5008x2xi32, #tpu.memory_space<vmem>>, vector<1x5008x2xi32>,
    %dma_start3A = tpu.memref_slice %arg16[%rem3A_1] : memref<2x!tpu.dma_semaphore, #tpu.memory_space<semaphore_mem>> -> memref<1x!tpu.dma_semaphore, #tpu.memory_space<semaphore_mem>>
    %dma_start3A_110 = tpu.memref_squeeze %dma_start3A : memref<1x!tpu.dma_semaphore, #tpu.memory_space<semaphore_mem>> -> memref<!tpu.dma_semaphore, #tpu.memory_space<semaphore_mem>>
    %dma_start3A_111 = arith.constant 0 : i32
    %dma_start3A_112 = tpu.memref_slice %arg10[%add3A_39, %dma_start3A_111] : memref<319728x8xf32, #tpu.memory_space<any>> -> memref<5008x8xf32, #tpu.memory_space<any>>
    %dma_start3A_113 = arith.constant 0 : i32
    %dma_start3A_114 = arith.constant 0 : i32
    %dma_start3A_115 = tpu.memref_slice %arg13[%rem3A_1, %dma_start3A_113, %dma_start3A_114] : memref<2x5008x8xf32, #tpu.memory_space<vmem>> -> memref<1x5008x8xf32, #tpu.memory_space<vmem>>
    %dma_start3A_116 = tpu.memref_squeeze %dma_start3A_115 : memref<1x5008x8xf32, #tpu.memory_space<vmem>> -> memref<5008x8xf32, #tpu.memory_space<vmem>>
    tpu.enqueue_dma source(%dma_start3A_116 : memref<5008x8xf32, #tpu.memory_space<vmem>>) target(%dma_start3A_112 : memref<5008x8xf32, #tpu.memory_space<any>>) target_semaphore(%dma_start3A_110 : memref<!tpu.dma_semaphore, #tpu.memory_space<semaphore_mem>>)
    %dma_start3A_117 = tpu.memref_slice %arg17[%rem3A_1] : memref<2x!tpu.dma_semaphore, #tpu.memory_space<semaphore_mem>> -> memref<1x!tpu.dma_semaphore, #tpu.memory_space<semaphore_mem>>
    %dma_start3A_118 = tpu.memref_squeeze %dma_start3A_117 : memref<1x!tpu.dma_semaphore, #tpu.memory_space<semaphore_mem>> -> memref<!tpu.dma_semaphore, #tpu.memory_space<semaphore_mem>>
    %dma_start3A_119 = arith.constant 0 : i32
    %dma_start3A_120 = tpu.memref_slice %arg11[%add3A_39, %dma_start3A_119] : memref<319728x2xi32, #tpu.memory_space<any>> -> memref<5008x2xi32, #tpu.memory_space<any>>
    %dma_start3A_121 = arith.constant 0 : i32
    %dma_start3A_122 = arith.constant 0 : i32
    %dma_start3A_123 = tpu.memref_slice %arg14[%rem3A_1, %dma_start3A_121, %dma_start3A_122] : memref<2x5008x2xi32, #tpu.memory_space<vmem>> -> memref<1x5008x2xi32, #tpu.memory_space<vmem>>
    %dma_start3A_124 = tpu.memref_squeeze %dma_start3A_123 : memref<1x5008x2xi32, #tpu.memory_space<vmem>> -> memref<5008x2xi32, #tpu.memory_space<vmem>>
    tpu.enqueue_dma source(%dma_start3A_124 : memref<5008x2xi32, #tpu.memory_space<vmem>>) target(%dma_start3A_120 : memref<5008x2xi32, #tpu.memory_space<any>>) target_semaphore(%dma_start3A_118 : memref<!tpu.dma_semaphore, #tpu.memory_space<semaphore_mem>>)
    %dma_start3A_125 = tpu.memref_slice %arg15[%rem3A_1] : memref<2x!tpu.dma_semaphore, #tpu.memory_space<semaphore_mem>> -> memref<1x!tpu.dma_semaphore, #tpu.memory_space<semaphore_mem>>
    %dma_start3A_126 = tpu.memref_squeeze %dma_start3A_125 : memref<1x!tpu.dma_semaphore, #tpu.memory_space<semaphore_mem>> -> memref<!tpu.dma_semaphore, #tpu.memory_space<semaphore_mem>>
    %dma_start3A_127 = arith.constant 0 : i32
    %dma_start3A_128 = tpu.memref_slice %arg9[%add3A_39, %dma_start3A_127] : memref<319728x16xf32, #tpu.memory_space<any>> -> memref<5008x16xf32, #tpu.memory_space<any>>
    %dma_start3A_129 = arith.constant 0 : i32
    %dma_start3A_130 = arith.constant 0 : i32
    %dma_start3A_131 = tpu.memref_slice %arg12[%rem3A_1, %dma_start3A_129, %dma_start3A_130] : memref<2x5008x16xf32, #tpu.memory_space<vmem>> -> memref<1x5008x16xf32, #tpu.memory_space<vmem>>
    %dma_start3A_132 = tpu.memref_squeeze %dma_start3A_131 : memref<1x5008x16xf32, #tpu.memory_space<vmem>> -> memref<5008x16xf32, #tpu.memory_space<vmem>>
    tpu.enqueue_dma source(%dma_start3A_132 : memref<5008x16xf32, #tpu.memory_space<vmem>>) target(%dma_start3A_128 : memref<5008x16xf32, #tpu.memory_space<any>>) target_semaphore(%dma_start3A_126 : memref<!tpu.dma_semaphore, #tpu.memory_space<semaphore_mem>>)
    %eq3A = arith.constant 63 : i32
    %eq3A_133 = arith.cmpi eq, %add3A, %eq3A : i32
    %convert_element_type3A_134 = arith.extui %eq3A_133 : i1 to i32
    %cond3A_135 = arith.constant 0 : i32
    %cond3A_136 = arith.cmpi ne, %convert_element_type3A_134, %cond3A_135 : i32
    scf.if %cond3A_136 {
      %sub3A_137 = arith.constant 1 : i32
      %sub3A_138 = arith.subi %sub3A_137, %rem3A_1 : i32
      %dma_wait3A = tpu.memref_slice %arg15[%rem3A_1] : memref<2x!tpu.dma_semaphore, #tpu.memory_space<semaphore_mem>> -> memref<1x!tpu.dma_semaphore, #tpu.memory_space<semaphore_mem>>
      %dma_wait3A_139 = tpu.memref_squeeze %dma_wait3A : memref<1x!tpu.dma_semaphore, #tpu.memory_space<semaphore_mem>> -> memref<!tpu.dma_semaphore, #tpu.memory_space<semaphore_mem>>
      %dma_wait3A_140 = arith.constant 0 : i32
      %dma_wait3A_141 = tpu.memref_slice %arg9[%add3A_39, %dma_wait3A_140] : memref<319728x16xf32, #tpu.memory_space<any>> -> memref<5008x16xf32, #tpu.memory_space<any>>
      %dma_wait3A_142 = arith.constant 0 : i32
      %dma_wait3A_143 = arith.constant 0 : i32
      %dma_wait3A_144 = tpu.memref_slice %arg12[%rem3A_1, %dma_wait3A_142, %dma_wait3A_143] : memref<2x5008x16xf32, #tpu.memory_space<vmem>> -> memref<1x5008x16xf32, #tpu.memory_space<vmem>>
      %dma_wait3A_145 = tpu.memref_squeeze %dma_wait3A_144 : memref<1x5008x16xf32, #tpu.memory_space<vmem>> -> memref<5008x16xf32, #tpu.memory_space<vmem>>
      tpu.wait_dma2 semaphore(%dma_wait3A_139 : memref<!tpu.dma_semaphore, #tpu.memory_space<semaphore_mem>>) src(%dma_wait3A_145 : memref<5008x16xf32, #tpu.memory_space<vmem>>) dst(%dma_wait3A_141 : memref<5008x16xf32, #tpu.memory_space<any>>)
      %dma_wait3A_146 = tpu.memref_slice %arg16[%rem3A_1] : memref<2x!tpu.dma_semaphore, #tpu.memory_space<semaphore_mem>> -> memref<1x!tpu.dma_semaphore, #tpu.memory_space<semaphore_mem>>
      %dma_wait3A_147 = tpu.memref_squeeze %dma_wait3A_146 : memref<1x!tpu.dma_semaphore, #tpu.memory_space<semaphore_mem>> -> memref<!tpu.dma_semaphore, #tpu.memory_space<semaphore_mem>>
      %dma_wait3A_148 = arith.constant 0 : i32
      %dma_wait3A_149 = tpu.memref_slice %arg10[%add3A_39, %dma_wait3A_148] : memref<319728x8xf32, #tpu.memory_space<any>> -> memref<5008x8xf32, #tpu.memory_space<any>>
      %dma_wait3A_150 = arith.constant 0 : i32
      %dma_wait3A_151 = arith.constant 0 : i32
      %dma_wait3A_152 = tpu.memref_slice %arg13[%rem3A_1, %dma_wait3A_150, %dma_wait3A_151] : memref<2x5008x8xf32, #tpu.memory_space<vmem>> -> memref<1x5008x8xf32, #tpu.memory_space<vmem>>
      %dma_wait3A_153 = tpu.memref_squeeze %dma_wait3A_152 : memref<1x5008x8xf32, #tpu.memory_space<vmem>> -> memref<5008x8xf32, #tpu.memory_space<vmem>>
      tpu.wait_dma2 semaphore(%dma_wait3A_147 : memref<!tpu.dma_semaphore, #tpu.memory_space<semaphore_mem>>) src(%dma_wait3A_153 : memref<5008x8xf32, #tpu.memory_space<vmem>>) dst(%dma_wait3A_149 : memref<5008x8xf32, #tpu.memory_space<any>>)
      %dma_wait3A_154 = tpu.memref_slice %arg17[%rem3A_1] : memref<2x!tpu.dma_semaphore, #tpu.memory_space<semaphore_mem>> -> memref<1x!tpu.dma_semaphore, #tpu.memory_space<semaphore_mem>>
      %dma_wait3A_155 = tpu.memref_squeeze %dma_wait3A_154 : memref<1x!tpu.dma_semaphore, #tpu.memory_space<semaphore_mem>> -> memref<!tpu.dma_semaphore, #tpu.memory_space<semaphore_mem>>
      %dma_wait3A_156 = arith.constant 0 : i32
      %dma_wait3A_157 = tpu.memref_slice %arg11[%add3A_39, %dma_wait3A_156] : memref<319728x2xi32, #tpu.memory_space<any>> -> memref<5008x2xi32, #tpu.memory_space<any>>
      %dma_wait3A_158 = arith.constant 0 : i32
      %dma_wait3A_159 = arith.constant 0 : i32
      %dma_wait3A_160 = tpu.memref_slice %arg14[%rem3A_1, %dma_wait3A_158, %dma_wait3A_159] : memref<2x5008x2xi32, #tpu.memory_space<vmem>> -> memref<1x5008x2xi32, #tpu.memory_space<vmem>>
      %dma_wait3A_161 = tpu.memref_squeeze %dma_wait3A_160 : memref<1x5008x2xi32, #tpu.memory_space<vmem>> -> memref<5008x2xi32, #tpu.memory_space<vmem>>
      tpu.wait_dma2 semaphore(%dma_wait3A_155 : memref<!tpu.dma_semaphore, #tpu.memory_space<semaphore_mem>>) src(%dma_wait3A_161 : memref<5008x2xi32, #tpu.memory_space<vmem>>) dst(%dma_wait3A_157 : memref<5008x2xi32, #tpu.memory_space<any>>)
      %dma_wait3A_162 = tpu.memref_slice %arg15[%sub3A_138] : memref<2x!tpu.dma_semaphore, #tpu.memory_space<semaphore_mem>> -> memref<1x!tpu.dma_semaphore, #tpu.memory_space<semaphore_mem>>
      %dma_wait3A_163 = tpu.memref_squeeze %dma_wait3A_162 : memref<1x!tpu.dma_semaphore, #tpu.memory_space<semaphore_mem>> -> memref<!tpu.dma_semaphore, #tpu.memory_space<semaphore_mem>>
      %dma_wait3A_164 = arith.constant 0 : i32
      %dma_wait3A_165 = tpu.memref_slice %arg9[%add3A_39, %dma_wait3A_164] : memref<319728x16xf32, #tpu.memory_space<any>> -> memref<5008x16xf32, #tpu.memory_space<any>>
      %dma_wait3A_166 = arith.constant 0 : i32
      %dma_wait3A_167 = arith.constant 0 : i32
      %dma_wait3A_168 = tpu.memref_slice %arg12[%sub3A_138, %dma_wait3A_166, %dma_wait3A_167] : memref<2x5008x16xf32, #tpu.memory_space<vmem>> -> memref<1x5008x16xf32, #tpu.memory_space<vmem>>
      %dma_wait3A_169 = tpu.memref_squeeze %dma_wait3A_168 : memref<1x5008x16xf32, #tpu.memory_space<vmem>> -> memref<5008x16xf32, #tpu.memory_space<vmem>>
      tpu.wait_dma2 semaphore(%dma_wait3A_163 : memref<!tpu.dma_semaphore, #tpu.memory_space<semaphore_mem>>) src(%dma_wait3A_169 : memref<5008x16xf32, #tpu.memory_space<vmem>>) dst(%dma_wait3A_165 : memref<5008x16xf32, #tpu.memory_space<any>>)
      %dma_wait3A_170 = tpu.memref_slice %arg16[%sub3A_138] : memref<2x!tpu.dma_semaphore, #tpu.memory_space<semaphore_mem>> -> memref<1x!tpu.dma_semaphore, #tpu.memory_space<semaphore_mem>>
      %dma_wait3A_171 = tpu.memref_squeeze %dma_wait3A_170 : memref<1x!tpu.dma_semaphore, #tpu.memory_space<semaphore_mem>> -> memref<!tpu.dma_semaphore, #tpu.memory_space<semaphore_mem>>
      %dma_wait3A_172 = arith.constant 0 : i32
      %dma_wait3A_173 = tpu.memref_slice %arg10[%add3A_39, %dma_wait3A_172] : memref<319728x8xf32, #tpu.memory_space<any>> -> memref<5008x8xf32, #tpu.memory_space<any>>
      %dma_wait3A_174 = arith.constant 0 : i32
      %dma_wait3A_175 = arith.constant 0 : i32
      %dma_wait3A_176 = tpu.memref_slice %arg13[%sub3A_138, %dma_wait3A_174, %dma_wait3A_175] : memref<2x5008x8xf32, #tpu.memory_space<vmem>> -> memref<1x5008x8xf32, #tpu.memory_space<vmem>>
      %dma_wait3A_177 = tpu.memref_squeeze %dma_wait3A_176 : memref<1x5008x8xf32, #tpu.memory_space<vmem>> -> memref<5008x8xf32, #tpu.memory_space<vmem>>
      tpu.wait_dma2 semaphore(%dma_wait3A_171 : memref<!tpu.dma_semaphore, #tpu.memory_space<semaphore_mem>>) src(%dma_wait3A_177 : memref<5008x8xf32, #tpu.memory_space<vmem>>) dst(%dma_wait3A_173 : memref<5008x8xf32, #tpu.memory_space<any>>)
      %dma_wait3A_178 = tpu.memref_slice %arg17[%sub3A_138] : memref<2x!tpu.dma_semaphore, #tpu.memory_space<semaphore_mem>> -> memref<1x!tpu.dma_semaphore, #tpu.memory_space<semaphore_mem>>
      %dma_wait3A_179 = tpu.memref_squeeze %dma_wait3A_178 : memref<1x!tpu.dma_semaphore, #tpu.memory_space<semaphore_mem>> -> memref<!tpu.dma_semaphore, #tpu.memory_space<semaphore_mem>>
      %dma_wait3A_180 = arith.constant 0 : i32
      %dma_wait3A_181 = tpu.memref_slice %arg11[%add3A_39, %dma_wait3A_180] : memref<319728x2xi32, #tpu.memory_space<any>> -> memref<5008x2xi32, #tpu.memory_space<any>>
      %dma_wait3A_182 = arith.constant 0 : i32
      %dma_wait3A_183 = arith.constant 0 : i32
      %dma_wait3A_184 = tpu.memref_slice %arg14[%sub3A_138, %dma_wait3A_182, %dma_wait3A_183] : memref<2x5008x2xi32, #tpu.memory_space<vmem>> -> memref<1x5008x2xi32, #tpu.memory_space<vmem>>
      %dma_wait3A_185 = tpu.memref_squeeze %dma_wait3A_184 : memref<1x5008x2xi32, #tpu.memory_space<vmem>> -> memref<5008x2xi32, #tpu.memory_space<vmem>>
      tpu.wait_dma2 semaphore(%dma_wait3A_179 : memref<!tpu.dma_semaphore, #tpu.memory_space<semaphore_mem>>) src(%dma_wait3A_185 : memref<5008x2xi32, #tpu.memory_space<vmem>>) dst(%dma_wait3A_181 : memref<5008x2xi32, #tpu.memory_space<any>>)
    } else {
    }
    return
  }
  func.func @transform_0(%arg0: i32, %arg1: i32) -> (i32, i32) {
    %c0_i32 = arith.constant 0 : i32
    %c0_i32_0 = arith.constant 0 : i32
    %c0_i32_1 = arith.constant 0 : i32
    return %c0_i32, %c0_i32_0 : i32, i32
  }
  func.func @transform_1(%arg0: i32, %arg1: i32) -> (i32, i32) {
    %c0_i32 = arith.constant 0 : i32
    %c0_i32_0 = arith.constant 0 : i32
    %c0_i32_1 = arith.constant 0 : i32
    return %c0_i32, %c0_i32_0 : i32, i32
  }
  func.func @transform_2(%arg0: i32, %arg1: i32) -> (i32, i32) {
    %c0_i32 = arith.constant 0 : i32
    %c0_i32_0 = arith.constant 0 : i32
    %c0_i32_1 = arith.constant 0 : i32
    return %c0_i32, %c0_i32_0 : i32, i32
  }
  func.func @transform_3(%arg0: i32, %arg1: i32) -> (i32, i32) {
    %c0_i32 = arith.constant 0 : i32
    %c0_i32_0 = arith.constant 0 : i32
    %c0_i32_1 = arith.constant 0 : i32
    return %c0_i32, %c0_i32_0 : i32, i32
  }
  func.func @transform_4(%arg0: i32, %arg1: i32) -> (i32, i32) {
    %c0_i32 = arith.constant 0 : i32
    %c0_i32_0 = arith.constant 0 : i32
    %c0_i32_1 = arith.constant 0 : i32
    return %c0_i32, %c0_i32_0 : i32, i32
  }
  func.func @transform_5(%arg0: i32, %arg1: i32) -> (i32, i32) {
    %c0_i32 = arith.constant 0 : i32
    %c0_i32_0 = arith.constant 0 : i32
    %c0_i32_1 = arith.constant 0 : i32
    return %c0_i32, %c0_i32_0 : i32, i32
  }
  func.func @transform_6(%arg0: i32, %arg1: i32) -> (i32, i32) {
    %c0_i32 = arith.constant 0 : i32
    %c0_i32_0 = arith.constant 0 : i32
    %c0_i32_1 = arith.constant 0 : i32
    return %c0_i32, %c0_i32_0 : i32, i32
  }
}

</mosaic_0001>

<sc_bundles>
// kernel: gather_offload_async_start.1
scs
__scs_entry_jumppad:
0x0: {  	(pc) =	sbr.rel $0x88, $3  }
0x1: {  	(tag) =	ssettag $0x0;
	lr =	simm.s32 $0x1  }
0x2: {  	[smem:$0x3F96] =	sst lr;
	_ =	strace $0xD0000000  }
0x3: {  	_ = 	snop  }
0x4: {  	_ = 	snop  }
0x5: {  	_ = 	snop  }
0x6: {  	_ = 	snop  }
0x7: {  	_ = 	snop  }
__scs_overlays_trampoline_lowered:
0x8: {  	[smem:$0x3FA5] =	sst s0  }
0x9: {  	[smem:$0x3FA6] =	sst s1  }
0xa: {  	[smem:$0x3FA7] =	sst s2  }
0xb: {  	[smem:$0x3FA8] =	sst s3  }
0xc: {  	[smem:$0x3FA9] =	sst s4  }
0xd: {  	[smem:$0x3FAA] =	sst s5  }
0xe: {  	[smem:$0x3FAB] =	sst s6  }
0xf: {  	[smem:$0x3FAC] =	sst s7  }
0x10: {  	[smem:$0x3FAD] =	sst s8  }
0x11: {  	[smem:$0x3FAE] =	sst s9;
	s0 =	simm.s32 @!p0 $0x0  }
0x12: {  	s1 =	sld [smem:$0x3F94];
	s0 =	simm.s32 @p0 $0x1  }
0x13: {  	[smem:$0x3FAF] =	sst s0;
	s0 =	simm.s32 @!p1 $0x0  }
0x14: {  	s2 =	sld [smem:$0x3F93];
	s0 =	simm.s32 @p1 $0x1  }
0x15: {  	[smem:$0x3FB0] =	sst s0;
	s0 =	simm.s32 @!p2 $0x0  }
0x16: {  	s3 =	sld [smem:$0x3FDB];
	s0 =	simm.s32 @p2 $0x1  }
0x17: {  	s4 =	simm.s32 $0x1BF5;
	[smem:$0x3FB2] =	sst s0  }
0x18: {  	s0 =	sld [smem:$0x3F95];
	_ =	swait.ge [sflag:s4], $0x0  }
0x19: {  	s7 =	sld [smem:$0x3F96]  }
0x1a: {  	s8 =	sadd.s32 $0xFFFFE003, lr  }
0x1b: {  	s9 =	sadd.s32 $0xFFFFFEF7, lr;
	s5 =	simm.s32 $0xFFFFFFFF;
	p2 =	slt.u32 s8, $0xFFFFF086  }
0x1c: {  	p1 =	slt.u32 s9, $0xF7A;
	s5 =	simm.s32 @!p2 $0x0  }
0x1d: {  	s5 =	simm.s32 @p1 $0x1;
	p0 =	seq.s32 s7, s2  }
0x1e: {  	s7 =	smul.u32 @!p0 $0xF7A, s2;
	p2 =	seq.s32 @!p0 s5, $0x0  }
0x1f: {  	s9 =	smul.u32 $0xF7A, s1;
	s8 =	simm.s32 @!p0 $0x1BF5;
	p2 =	por !p2, p0  }
0x20: {  	[sflag:s8] =	ssyncset.s32 @!p0 $0xFFFFF086;
	s6 =	sadd.s32 @!p0 s3, s7;
	s7 =	simm.s32 @!p0 $0x108  }
0x21: {  	s3 =	sadd.s32 s3, s9;
	s6 =	sadd.s32 @!p0 $0x88, s6;
	s7 =	simm.s32 @p2 $0x1082  }
0x22: {  	[simem:s7], [sflag:s8] =	dma.local @!p0 [hbm:s6], $0xF7A  }
0x23: {  	s9 =	sor.u32 $0xD0000000, s2;
	s6 =	simm.s32 $0x108;
	_ =	swait.ge @!p0 [sflag:s8], $0x0  }
0x24: {  	s3 =	sadd.s32 $0x88, s3;
	s6 =	simm.s32 @!p1 $0x1082;
	[sflag:s4] =	ssyncset.s32 $0xFFFFF086  }
0x25: {  	[simem:s6], [sflag:s4] =	dma.local [hbm:s3], $0xF7A  }
0x26: {  	[smem:$0x3F96] =	sst s1;
	(tag) =	ssettag s2;
	_ =	strace s9  }
0x27: {  	s1 =	sld [smem:$0x3FA6]  }
0x28: {  	s2 =	sld [smem:$0x3FA7]  }
0x29: {  	s4 =	sld [smem:$0x3FA9]  }
0x2a: {  	p0 =	seq.s32 s5, $0x0;
	s5 =	sld [smem:$0x3FAA]  }
0x2b: {  	s6 =	sld [smem:$0x3FAB]  }
0x2c: {  	s7 =	sld [smem:$0x3FAC]  }
0x2d: {  	s3 =	simm.s32 $0x108;
	s8 =	sld [smem:$0x3FAD]  }
0x2e: {  	s3 =	simm.s32 @!p0 $0x1082;
	s9 =	sld [smem:$0x3FAE]  }
0x2f: {  	lr =	sadd.s32 s0, s3;
	s0 =	sld [smem:$0x3FA5]  }
0x30: {  	s3 =	sld [smem:$0x3FA8]  }
0x31: {  	[smem:$0x3FB1] =	sst s10  }
0x32: {  	s10 =	sld [smem:$0x3FAF];
	_ =	sdelay $0x3  }
0x33: {  	p0 =	seq.s32 s10, $0x1;
	s10 =	sld [smem:$0x3FB1];
	_ =	sdelay $0x3  }
0x34: {  	[smem:$0x3FB1] =	sst s10  }
0x35: {  	s10 =	sld [smem:$0x3FB0];
	_ =	sdelay $0x3  }
0x36: {  	p1 =	seq.s32 s10, $0x1;
	s10 =	sld [smem:$0x3FB1];
	_ =	sdelay $0x3  }
0x37: {  	[smem:$0x3FB1] =	sst s10  }
0x38: {  	s10 =	sld [smem:$0x3FB2]  }
0x39: {  	_ = 	snop;
	(pc) =	sbr.ind lr, $3  }
0x3a: {  	_ = 	snop  }
0x3b: {  	_ = 	snop  }
0x3c: {  	p2 =	seq.s32 s10, $0x1;
	s10 =	sld [smem:$0x3FB1]  }
0x3d: {  	_ =	shalt  }
0x3e: {  	_ =	shalt  }
0x3f: {  	_ =	shalt  }
0x40: {  	_ =	shalt  }
0x41: {  	_ =	shalt  }
0x42: {  	_ =	shalt  }
0x43: {  	_ =	shalt  }
0x44: {  	_ =	shalt  }
0x45: {  	_ =	shalt  }
0x46: {  	_ =	shalt  }
0x47: {  	_ =	shalt  }
0x48: {  	_ =	shalt  }
0x49: {  	_ =	shalt  }
0x4a: {  	_ =	shalt  }
0x4b: {  	_ =	shalt  }
0x4c: {  	_ =	shalt  }
0x4d: {  	_ =	shalt  }
0x4e: {  	_ =	shalt  }
0x4f: {  	_ =	shalt  }
0x50: {  	_ =	shalt  }
0x51: {  	_ =	shalt  }
0x52: {  	_ =	shalt  }
0x53: {  	_ =	shalt  }
0x54: {  	_ =	shalt  }
0x55: {  	_ =	shalt  }
0x56: {  	_ =	shalt  }
0x57: {  	_ =	shalt  }
0x58: {  	_ =	shalt  }
0x59: {  	_ =	shalt  }
0x5a: {  	_ =	shalt  }
0x5b: {  	_ =	shalt  }
0x5c: {  	_ =	shalt  }
0x5d: {  	_ =	shalt  }
0x5e: {  	_ =	shalt  }
0x5f: {  	_ =	shalt  }
0x60: {  	_ =	shalt  }
0x61: {  	_ =	shalt  }
0x62: {  	_ =	shalt  }
0x63: {  	_ =	shalt  }
0x64: {  	_ =	shalt  }
0x65: {  	_ =	shalt  }
0x66: {  	_ =	shalt  }
0x67: {  	_ =	shalt  }
0x68: {  	_ =	shalt  }
0x69: {  	_ =	shalt  }
0x6a: {  	_ =	shalt  }
0x6b: {  	_ =	shalt  }
0x6c: {  	_ =	shalt  }
0x6d: {  	_ =	shalt  }
0x6e: {  	_ =	shalt  }
0x6f: {  	_ =	shalt  }
0x70: {  	_ =	shalt  }
0x71: {  	_ =	shalt  }
0x72: {  	_ =	shalt  }
0x73: {  	_ =	shalt  }
0x74: {  	_ =	shalt  }
0x75: {  	_ =	shalt  }
0x76: {  	_ =	shalt  }
0x77: {  	_ =	shalt  }
0x78: {  	_ =	shalt  }
0x79: {  	_ =	shalt  }
0x7a: {  	_ =	shalt  }
0x7b: {  	_ =	shalt  }
0x7c: {  	_ =	shalt  }
0x7d: {  	_ =	shalt  }
0x7e: {  	_ =	shalt  }
0x7f: {  	_ =	shalt  }
0x80: {  	_ =	shalt  }
0x81: {  	_ =	shalt  }
0x82: {  	_ =	shalt  }
0x83: {  	_ =	shalt  }
0x84: {  	_ =	shalt  }
0x85: {  	_ =	shalt  }
0x86: {  	_ =	shalt  }
0x87: {  	_ =	shalt  }
.Lfunc_end0:
.L_simem_size_0:
called_computation.1_lowered:
.L_overlay_start_0:
0x88: {  	s0 =	sld [smem:$0x3FD9]  }
0x89: {  	s1 =	sld [smem:$0x3FFE];
	_ =	sdelay $0x3  }
0x8a: {  	s0 =	sadd.s32 s1, s0  }
0x8b: {  	[smem:$0x3FBD] =	sst s0  }
0x8c: {  	_ = 	snop  }
0x8d: {  	s0 =	sld [smem:$0x3FD0];
	_ =	sdelay $0x2  }
0x8e: {  	s13 =	simm.s32 $0xC;
	s2 =	simm.s32 $0x10  }
0x8f: {  	[smem:s2], [sflag:s13] =	dma.local [hbm:s0], $0x1  }
0x90: {  	_ =	swait.eq [sflag:s13], $0x1  }
0x91: {  	[sflag:s13] =	ssyncset.done $0x0  }
0x92: {  	s14 =	sld [smem:$0x10];
	[sflag:s13] =	ssyncadd.s32 $0xFFFFFFFF  }
0x93: {  	s15 =	sld [smem:$0x12];
	(tm) =	ssettm $0x1  }
0x94: {  	s16 =	sld [smem:$0x3FFB];
	_ =	sdelay $0x3  }
0x95: {  	_ =	strace s16  }
0x96: {  	s2 =	sld [smem:$0x3FFC];
	_ =	sdelay $0x3  }
0x97: {  	_ =	strace s2  }
0x98: {  	s2 =	sld [smem:$0x3FFD];
	_ =	sdelay $0x3  }
0x99: {  	_ =	strace s2  }
0x9a: {  	_ =	strace $0x8FFFFFFF  }
0x9b: {  	s17 =	sld [smem:$0x3FDB];
	_ =	sdelay $0x1  }
0x9c: {  	s3 =	simm.s32 $_scs_section_size  }
0x9d: {  	s4 =	simm.s32 $_size__tile_overlayer_lowered;
	s5 =	simm.s32 $_tile_overlayer_lowered  }
0x9e: {  	s20 =	simm.s32 $0x1BFF;
	s19 =	sshll.u32 s5, $0x1;
	s2 =	sadd.s32 s3, s17  }
0x9f: {  	s6 =	simm.s32 $0x0;
	s18 =	sshll.u32 s4, $0x1;
	s4 =	sadd.s32 s19, s2  }
0xa0: {  	[timem:s6], [sflag:s20] =	dma.local [hbm:s4], s18  }
0xa1: {  	_ =	swait.ge [sflag:s20], s18  }
0xa2: {  	s3 =	ssub.s32 $0x0, s18;
	[sflag:s20] =	ssyncset.done $0x0  }
0xa3: {  	[sflag:s20] =	ssyncadd.s32 s3;
	_ =	sdelay $0x1  }
0xa4: {  	s21 =	simm.s32 $0x1B8B  }
0xa5: {  	_ =	swait.ge [sflag:s21], $0x1  }
0xa6: {  	[sflag:s21] =	ssyncset.done $0x0  }
0xa7: {  	s23 =	simm.s32 $0x1B8E;
	s22 =	sld [smem:$0x3FFE];
	[sflag:s21] =	ssyncadd.s32 $0xFFFFFFFF  }
0xa8: {  	s24 =	simm.s32 $execute0_lowered;
	[smem:$0x3FD2] =	sst s23  }
0xa9: {  	s4 =	sshll.u32 s24, $0x1;
	_ =	strace $0x80000049;
	[dreg:$0x1] =	wrdreg $0xFFFFFFFF  }
0xaa: {  	s25 =	simm.s32 $_size_execute0_lowered;
	s2 =	sadd.s32 s2, s4;
	[dreg:$0x0] =	wrdreg $0x0  }
0xab: {  	s4 =	sshll.u32 s25, $0x1;
	[dreg:$0x2] =	wrdreg s2  }
0xac: {  	[dreg:$0x3] =	wrdreg s4  }
0xad: {  	[dreg:$0x4] =	wrdreg $0xC0  }
0xae: {  	_ =	task [dreg:s6], $0x5FFFF  }
0xaf: {  	[dreg:$0x1] =	wrdreg $0xFFFFFFFF  }
0xb0: {  	[dreg:$0x0] =	wrdreg $0x60  }
0xb1: {  	[dreg:$0x2] =	wrdreg s14  }
0xb2: {  	[dreg:$0x3] =	wrdreg s15  }
0xb3: {  	[dreg:$0x4] =	wrdreg s22  }
0xb4: {  	[dreg:$0x5] =	wrdreg $0xA  }
0xb5: {  	_ =	task.clear_ibuf [dreg:s6], $0x6FFFF;
	_ =	strace $0x90000049  }
0xb6: {  	s26 =	simm.s32 $0xA;
	_ =	strace $0x8000004B  }
0xb7: {  	_ =	swait.ge [sflag:s26], $0x1  }
0xb8: {  	[sflag:s26] =	ssyncadd.s32 $0xFFFFFFFF  }
0xb9: {  	_ =	strace $0x9000004B  }
0xba: {  	_ =	sfence  }
0xbb: {  	s28 =	sld [smem:$0x0];
	_ =	sdelay $0x1  }
0xbc: {  	s29 =	srdreg.scid  }
0xbd: {  	s30 =	sshll.u32 s29, $0xD;
	s31 =	sshrl.u32 s29, $0x2  }
0xbe: {  	s1 =	sand.u32 $0x1, s29;
	s2 =	sand.u32 $0x4000, s30;
	s0 =	sadd.s32 s31, s28  }
0xbf: {  	s1 =	sor.u32 s2, s1;
	s0 =	sshll.u32 s0, $0x11  }
0xc0: {  	s0 =	sor.u32 s0, s1  }
0xc1: {  	s0 =	sadd.s32 $0x8F2B, s0  }
0xc2: {  	[sflag:s0] =	ssyncadd.remote.s32 $0x1  }
0xc3: {  	_ =	sfence.sel $0xFFFF  }
0xc4: {  	[dreg:$0x0] =	wrdreg $0xFFFFFFFF;
	(pc) =	sbr.abs _section_cstart, $3  }
0xc5: {  	[dreg:$0x1] =	wrdreg $0xFFFFFFFF  }
0xc6: {  	_ =	task.clear_ibuf [dreg:s6], $0x2FFFF;
	_ =	strace $0x9FFFFFFF  }
0xc7: {  	(tm) =	ssettm $0x7FFFFFFF  }
tec
execute0_lowered:
.L_overlay_start_1:
0x0: {  	(tag) =	ssettag $0x1  }
0x1: {  	s0 =	stileid.u32  }
0x2: {  	s1 =	smin.u32 s0, $0x9  }
0x3: {  	s1 =	sadd.s32 s0, s1  }
0x4: {  	s2 =	simm.s32 $0x320;
	p0 =	slt.u32 s0, $0x9;
	s1 =	smul.u32 $0x190, s1  }
0x5: {  	s2 =	simm.s32 @!p0 $0x190  }
0x6: {  	s2 =	sadd.s32 s2, s1  }
0x7: {  	s3 =	smin.u32 s2, $0x2710  }
0x8: {  	s7 =	ssub.s32 s3, s1  }
0x9: {  	p0 =	sgt.s32 s7, $0x0  }
0xa: {  	s7 =	simm.s32 @!p0 $0x0  }
0xb: {  	s31 =	sand.u32 $0xFFF0, s7  }
0xc: {  	s4 =	rddreg [dreg:$0x0];
	s2 =	sshrl.u32 s31, $0x4  }
0xd: {  	s5 =	rddreg [dreg:$0x1];
	s2 =	smul.u32 $0xA3E, s2  }
0xe: {  	s9 =	rddreg [dreg:$0x2]  }
0xf: {  	s6 =	simm.s32 $0x1;
	s11 =	simm.s32 $0x3;
	s8 =	sshrl.u32 s2, $0x10  }
0x10: {  	s13 =	simm.s32 $0x0;
	s12 =	simm.s32 $0x0;
	s10 =	smul.u32 $0x190, s8  }
.Ltmp0:
0x11: {  	s9 =	sadd.s32 $0x600, s9;
	s2 =	rddreg [dreg:$0x3];
	(pc) =	sbr.rel .LBB2_1-.Ltmp0, $4  }
0x12: {  	_ =	strace $0x8000004A;
	p0 =	sne.s32 s7, s10;
	s10 =	simm.s32 $0x1  }
0x13: {  	[sflag:s6] =	ssyncpa.u1 $0x0;
	s7 =	simm.s32 $0x2;
	s10 =	simm.s32 @!p0 $0x0  }
0x14: {  	[sflag:s7] =	ssyncpa.u1 $0x0;
	p0 =	por $0x0, $0x0;
	s8 =	sadd.s32 s8, s10  }
0x15: {  	vm0 =	vmmov $0xff;
	vm1 =	vcmask $0x3F20;
	[sflag:s11] =	ssyncpa.u1 $0x0;
	s11 =	smov.u32 s1;
	s10 =	sadd.s32 $0x1, s8  }
.LBB2_6:
0x16: {  	[hbm:s17] =	stream.linear.scatter [tilespmem:s14], [sflag:$0x3], $0x400, $0x38;
	[tilespmem:$0x19320] =	vst v63  }
.LBB2_7:
0x17: {  	s13 =	sadd.s32 $0x190, s11  }
0x18: {  	s15 =	smov.u32 s1;
	p2 =	slt.s32 s13, s3  }
0x19: {  	s15 =	smov.u32 @p2 s13;
	p2 =	sne.s32 s12, s10  }
.Ltmp1:
0x1a: {  	p1 =	slt.u32 s12, $0x2;
	(pc) =	sbr.rel @!p2 .LBB2_8-.Ltmp1, $4  }
0x1b: {  	s14 =	simm.s32 @!p1 $0x3  }
0x1c: {  	s16 =	sadd.s32 $0x1, s12;
	_ =	swait.ge @!p1 [sflag:s14], $0xC800  }
0x1d: {  	p0 =	por !p0, !p0;
	s13 =	smov.u32 s11;
	[sflag:s14] =	ssyncset.done @!p1 $0x0  }
0x1e: {  	s12 =	smov.u32 s16;
	s11 =	smov.u32 s15;
	[sflag:s14] =	ssyncadd.s32 @!p1 $0xFFFF3800  }
.LBB2_1:
0x1f: {  	p1 =	sge.u32 s12, s8  }
0x20: {  	s14 =	sxor.u32 @!p1 $0xFFFFFFFF, s12  }
0x21: {  	s14 =	sand.u32 @!p1 $0x1, s14  }
0x22: {  	s14 =	smul.u32 @!p1 $0x640, s14  }
0x23: {  	s31 =	sadd.s32 $0xFFFFFFFF, s12;
	s15 =	sshrl.u32 @!p1 s11, $0x3  }
0x24: {  	s16 =	sand.u32 @!p1 $0x7, s11;
	s15 =	sadd.s32 @!p1 s5, s15;
	s14 =	sshrl.u32 @!p1 s14, $0x2  }
0x25: {  	[tilespmem:s14], [sflag:$0x2] =	stream.linear.gather @!p1 [hbm4b:s15+s16], $0x190, $0x38;
	[tilespmem:$0x19320] =	vst v63  }
0x26: {  	p1 =	sge.u32 s31, s8  }
.Ltmp2:
0x27: {  	_ = 	snop;
	(pc) =	sbr.rel @p1 .LBB2_7-.Ltmp2, $1  }
0x28: {  	_ =	sdelay $0x3  }
0x29: {  	s14 =	simm.s32 $0x1  }
0x2a: {  	s14 =	simm.s32 @!p0 $0x0  }
0x2b: {  	s15 =	smul.u32 $0x640, s14  }
0x2c: {  	_ =	swait.ge [sflag:s7], $0x190  }
0x2d: {  	[sflag:s7] =	ssyncset.done $0x0;
	s16 =	sshrl.u32 s15, $0x2  }
0x2e: {  	[sflag:s7] =	ssyncadd.s32 $0xFFFFFE70;
	s15 =	sadd.s32 $0x0, s16  }
0x2f: {  	v0 =	vld.msk [tilespmem:s15+$0x0 ss:$0x1], $0xffff;
	_ =	sdelay $0x4  }
0x30: {  	vm2 =	vgt.s32 v0, $0x0  }
0x31: {  	v0 =	vnsel vm2, $0x0, v0  }
0x32: {  	v0 =	vmin.u32 v0, $0x270F  }
0x33: {  	v0 =	vshll.u32 v0, $0x4  }
0x34: {  	s14 =	smul.u32 $0x32000, s14;
	_ =	sdelay $0x1  }
0x35: {  	s14 =	sshrl.u32 s14, $0x2  }
0x36: {  	s14 =	sor.u32 $0x320, s14  }
0x37: {  	[tilespmem:s14], [sflag:$0x1] =	stream.indirect_vreg.gather [hbm:s4], $0x80, v0, vm0, $0x38;
	[tilespmem:$0x19320] =	vst v63  }
0x38: {  	s17 =	sadd.s32 $0x10, s16;
	s15 =	sadd.s32 $0x400, s14  }
0x39: {  	[tilespmem:s15], [sflag:$0x1] =	stream.indirect_vreg.gather [hbm:s4], $0x80, v0, vm1, $0x38;
	[tilespmem:$0x19320] =	vst v63  }
0x3a: {  	s18 =	simm.s32 $0x80;
	v0 =	vld.msk [tilespmem:s17+$0x0 ss:$0x1], $0xffff;
	s17 =	smov.u32 s14  }
.LBB2_3:
0x3b: {  	p1 =	sne.s32 s18, $0x600;
	_ =	sdelay $0x4  }
0x3c: {  	vm2 =	vgt.s32 v0, $0x0  }
0x3d: {  	v0 =	vnsel vm2, $0x0, v0  }
0x3e: {  	v0 =	vmin.u32 v0, $0x270F  }
0x3f: {  	v0 =	vshll.u32 v0, $0x4;
	_ =	sdelay $0x3  }
.Ltmp3:
0x40: {  	s19 =	sshra.s32 s18, $0x2;
	s17 =	sadd.s32 $0x800, s17;
	(pc) =	sbr.rel @p1 .LBB2_3-.Ltmp3, $4  }
0x41: {  	[tilespmem:s17], [sflag:$0x1] =	stream.indirect_vreg.gather [hbm:s4], $0x80, v0, vm0, $0x38;
	[tilespmem:$0x19320] =	vst v63  }
0x42: {  	s19 =	sadd.s32 s19, s16;
	s20 =	sadd.s32 $0x400, s17  }
0x43: {  	[tilespmem:s20], [sflag:$0x1] =	stream.indirect_vreg.gather [hbm:s4], $0x80, v0, vm1, $0x38;
	[tilespmem:$0x19320] =	vst v63  }
0x44: {  	s18 =	sadd.s32 $0x40, s18;
	v0 =	vld.msk [tilespmem:s19+$0x0 ss:$0x1], $0xffff  }
0x45: {  	_ =	sdelay $0x3  }
0x46: {  	vm2 =	vgt.s32 v0, $0x0  }
0x47: {  	v0 =	vnsel vm2, $0x0, v0  }
0x48: {  	v0 =	vmin.u32 v0, $0x270F  }
0x49: {  	v0 =	vshll.u32 v0, $0x4;
	_ =	sdelay $0x3  }
0x4a: {  	s16 =	sadd.s32 $0x800, s17  }
0x4b: {  	[tilespmem:s16], [sflag:$0x1] =	stream.indirect_vreg.gather [hbm:s4], $0x80, v0, vm0, $0x38;
	[tilespmem:$0x19320] =	vst v63  }
0x4c: {  	s16 =	sadd.s32 $0x400, s16  }
0x4d: {  	[tilespmem:s16], [sflag:$0x1] =	stream.indirect_vreg.gather [hbm:s4], $0x80, v0, vm1, $0x38;
	[tilespmem:$0x19320] =	vst v63  }
0x4e: {  	s13 =	sshll.u32 s13, $0x4;
	_ =	swait.ge [sflag:s6], $0xC800  }
0x4f: {  	s13 =	sadd.s32 s13, s9;
	[sflag:s6] =	ssyncset.done $0x0  }
0x50: {  	s17 =	sadd.s32 $0x0, s13;
	s16 =	simm.s32 $0x80;
	[sflag:s6] =	ssyncadd.s32 $0xFFFF3800  }
.LBB2_5:
0x51: {  	[hbm:s17] =	stream.linear.scatter [tilespmem:s14], [sflag:$0x3], $0x400, $0x38;
	[tilespmem:$0x19320] =	vst v63  }
0x52: {  	s17 =	smov.u32 s16;
	s14 =	smov.u32 s15;
	p1 =	sne.s32 s16, $0x1880  }
.Ltmp4:
0x53: {  	s16 =	sadd.s32 $0x80, s16;
	(pc) =	sbr.rel @p1 .LBB2_5-.Ltmp4, $2  }
0x54: {  	_ =	sdelay $0x2  }
0x55: {  	s15 =	sadd.s32 $0x400, s15;
	s17 =	sadd.s32 s17, s13  }
.Ltmp5:
0x56: {  	_ = 	snop;
	(pc) =	sbr.rel .LBB2_6-.Ltmp5, $1  }
0x57: {  	_ =	sdelay $0x3  }
.LBB2_8:
0x58: {  	_ =	sfence.sel $0x180000  }
0x59: {  	s1 =	simm.s32 $0x2;
	[bflag:$0x0] =	sbarrier.arrive $0xFFFF  }
0x5a: {  	s30 =	simm.s32 $0x3;
	[sflag:s1] =	ssyncpa.u1 $0x1  }
0x5b: {  	s31 =	simm.s32 $0x1;
	[sflag:s30] =	ssyncpa.u1 $0x1  }
0x5c: {  	[sflag:s31] =	ssyncpa.u1 $0x1  }
0x5d: {  	p0 =	sne.s32 s0, $0x0;
	_ =	strace $0x9000004A  }
0x5e: {  	s0 =	sadd.s32 @!p0 $0x100000, s2;
	[bflag:$0x2] =	sbarrier.arrive $0xFFFF  }
0x5f: {  	[sflag:s0] =	ssyncadd.tile.s32 @!p0 $0x1;
	_ =	shalt  }
.Lfunc_end2:
_tile_overlayer_lowered:
.L_overlay_start_2:
0x60: {  	(tag) =	ssettag $0x2  }
0x61: {  	s0 =	rddreg [dreg:$0x0];
	s2 =	stileid.u32  }
0x62: {  	s1 =	rddreg [dreg:$0x1];
	p0 =	sne.s32 s2, $0x0  }
0x63: {  	s3 =	rddreg [dreg:$0x2];
	[bflag:$0x3] =	sbarrier.arrive $0xFFFF;
	s2 =	simm.s32 @!p0 $0x1C01  }
0x64: {  	[timem:s3], [sflag:s2] =	dma.local @!p0 [hbm:s0], s1  }
0x65: {  	s0 =	simm.s32 @!p0 $0x1  }
0x66: {  	_ =	swait.ge @!p0 [sflag:s0], s1  }
0x67: {  	s1 =	ssub.s32 @!p0 $0x0, s1;
	[sflag:s0] =	ssyncset.done @!p0 $0x0  }
0x68: {  	[sflag:s0] =	ssyncadd.s32 @!p0 s1  }
0x69: {  	[bflag:$0x3] =	sbarrier.arrive $0xFFFF  }
0x6a: {  	_ =	shalt  }

// kernel: gather_offload_async_start.2
scs
__scs_entry_jumppad:
0x0: {  	(pc) =	sbr.rel $0x88, $3  }
0x1: {  	(tag) =	ssettag $0x0;
	lr =	simm.s32 $0x1  }
0x2: {  	[smem:$0x3F96] =	sst lr;
	_ =	strace $0xD0000000  }
0x3: {  	_ = 	snop  }
0x4: {  	_ = 	snop  }
0x5: {  	_ = 	snop  }
0x6: {  	_ = 	snop  }
0x7: {  	_ = 	snop  }
__scs_overlays_trampoline_lowered:
0x8: {  	[smem:$0x3FA5] =	sst s0  }
0x9: {  	[smem:$0x3FA6] =	sst s1  }
0xa: {  	[smem:$0x3FA7] =	sst s2  }
0xb: {  	[smem:$0x3FA8] =	sst s3  }
0xc: {  	[smem:$0x3FA9] =	sst s4  }
0xd: {  	[smem:$0x3FAA] =	sst s5  }
0xe: {  	[smem:$0x3FAB] =	sst s6  }
0xf: {  	[smem:$0x3FAC] =	sst s7  }
0x10: {  	[smem:$0x3FAD] =	sst s8  }
0x11: {  	[smem:$0x3FAE] =	sst s9;
	s0 =	simm.s32 @!p0 $0x0  }
0x12: {  	s1 =	sld [smem:$0x3F94];
	s0 =	simm.s32 @p0 $0x1  }
0x13: {  	[smem:$0x3FAF] =	sst s0;
	s0 =	simm.s32 @!p1 $0x0  }
0x14: {  	s2 =	sld [smem:$0x3F93];
	s0 =	simm.s32 @p1 $0x1  }
0x15: {  	[smem:$0x3FB0] =	sst s0;
	s0 =	simm.s32 @!p2 $0x0  }
0x16: {  	s3 =	sld [smem:$0x3FDB];
	s0 =	simm.s32 @p2 $0x1  }
0x17: {  	s4 =	simm.s32 $0x1BF5;
	[smem:$0x3FB2] =	sst s0  }
0x18: {  	s0 =	sld [smem:$0x3F95];
	_ =	swait.ge [sflag:s4], $0x0  }
0x19: {  	s7 =	sld [smem:$0x3F96]  }
0x1a: {  	s8 =	sadd.s32 $0xFFFFE003, lr  }
0x1b: {  	s9 =	sadd.s32 $0xFFFFFEF7, lr;
	s5 =	simm.s32 $0xFFFFFFFF;
	p2 =	slt.u32 s8, $0xFFFFF086  }
0x1c: {  	p1 =	slt.u32 s9, $0xF7A;
	s5 =	simm.s32 @!p2 $0x0  }
0x1d: {  	s5 =	simm.s32 @p1 $0x1;
	p0 =	seq.s32 s7, s2  }
0x1e: {  	s7 =	smul.u32 @!p0 $0xF7A, s2;
	p2 =	seq.s32 @!p0 s5, $0x0  }
0x1f: {  	s9 =	smul.u32 $0xF7A, s1;
	s8 =	simm.s32 @!p0 $0x1BF5;
	p2 =	por !p2, p0  }
0x20: {  	[sflag:s8] =	ssyncset.s32 @!p0 $0xFFFFF086;
	s6 =	sadd.s32 @!p0 s3, s7;
	s7 =	simm.s32 @!p0 $0x108  }
0x21: {  	s3 =	sadd.s32 s3, s9;
	s6 =	sadd.s32 @!p0 $0x88, s6;
	s7 =	simm.s32 @p2 $0x1082  }
0x22: {  	[simem:s7], [sflag:s8] =	dma.local @!p0 [hbm:s6], $0xF7A  }
0x23: {  	s9 =	sor.u32 $0xD0000000, s2;
	s6 =	simm.s32 $0x108;
	_ =	swait.ge @!p0 [sflag:s8], $0x0  }
0x24: {  	s3 =	sadd.s32 $0x88, s3;
	s6 =	simm.s32 @!p1 $0x1082;
	[sflag:s4] =	ssyncset.s32 $0xFFFFF086  }
0x25: {  	[simem:s6], [sflag:s4] =	dma.local [hbm:s3], $0xF7A  }
0x26: {  	[smem:$0x3F96] =	sst s1;
	(tag) =	ssettag s2;
	_ =	strace s9  }
0x27: {  	s1 =	sld [smem:$0x3FA6]  }
0x28: {  	s2 =	sld [smem:$0x3FA7]  }
0x29: {  	s4 =	sld [smem:$0x3FA9]  }
0x2a: {  	p0 =	seq.s32 s5, $0x0;
	s5 =	sld [smem:$0x3FAA]  }
0x2b: {  	s6 =	sld [smem:$0x3FAB]  }
0x2c: {  	s7 =	sld [smem:$0x3FAC]  }
0x2d: {  	s3 =	simm.s32 $0x108;
	s8 =	sld [smem:$0x3FAD]  }
0x2e: {  	s3 =	simm.s32 @!p0 $0x1082;
	s9 =	sld [smem:$0x3FAE]  }
0x2f: {  	lr =	sadd.s32 s0, s3;
	s0 =	sld [smem:$0x3FA5]  }
0x30: {  	s3 =	sld [smem:$0x3FA8]  }
0x31: {  	[smem:$0x3FB1] =	sst s10  }
0x32: {  	s10 =	sld [smem:$0x3FAF];
	_ =	sdelay $0x3  }
0x33: {  	p0 =	seq.s32 s10, $0x1;
	s10 =	sld [smem:$0x3FB1];
	_ =	sdelay $0x3  }
0x34: {  	[smem:$0x3FB1] =	sst s10  }
0x35: {  	s10 =	sld [smem:$0x3FB0];
	_ =	sdelay $0x3  }
0x36: {  	p1 =	seq.s32 s10, $0x1;
	s10 =	sld [smem:$0x3FB1];
	_ =	sdelay $0x3  }
0x37: {  	[smem:$0x3FB1] =	sst s10  }
0x38: {  	s10 =	sld [smem:$0x3FB2]  }
0x39: {  	_ = 	snop;
	(pc) =	sbr.ind lr, $3  }
0x3a: {  	_ = 	snop  }
0x3b: {  	_ = 	snop  }
0x3c: {  	p2 =	seq.s32 s10, $0x1;
	s10 =	sld [smem:$0x3FB1]  }
0x3d: {  	_ =	shalt  }
0x3e: {  	_ =	shalt  }
0x3f: {  	_ =	shalt  }
0x40: {  	_ =	shalt  }
0x41: {  	_ =	shalt  }
0x42: {  	_ =	shalt  }
0x43: {  	_ =	shalt  }
0x44: {  	_ =	shalt  }
0x45: {  	_ =	shalt  }
0x46: {  	_ =	shalt  }
0x47: {  	_ =	shalt  }
0x48: {  	_ =	shalt  }
0x49: {  	_ =	shalt  }
0x4a: {  	_ =	shalt  }
0x4b: {  	_ =	shalt  }
0x4c: {  	_ =	shalt  }
0x4d: {  	_ =	shalt  }
0x4e: {  	_ =	shalt  }
0x4f: {  	_ =	shalt  }
0x50: {  	_ =	shalt  }
0x51: {  	_ =	shalt  }
0x52: {  	_ =	shalt  }
0x53: {  	_ =	shalt  }
0x54: {  	_ =	shalt  }
0x55: {  	_ =	shalt  }
0x56: {  	_ =	shalt  }
0x57: {  	_ =	shalt  }
0x58: {  	_ =	shalt  }
0x59: {  	_ =	shalt  }
0x5a: {  	_ =	shalt  }
0x5b: {  	_ =	shalt  }
0x5c: {  	_ =	shalt  }
0x5d: {  	_ =	shalt  }
0x5e: {  	_ =	shalt  }
0x5f: {  	_ =	shalt  }
0x60: {  	_ =	shalt  }
0x61: {  	_ =	shalt  }
0x62: {  	_ =	shalt  }
0x63: {  	_ =	shalt  }
0x64: {  	_ =	shalt  }
0x65: {  	_ =	shalt  }
0x66: {  	_ =	shalt  }
0x67: {  	_ =	shalt  }
0x68: {  	_ =	shalt  }
0x69: {  	_ =	shalt  }
0x6a: {  	_ =	shalt  }
0x6b: {  	_ =	shalt  }
0x6c: {  	_ =	shalt  }
0x6d: {  	_ =	shalt  }
0x6e: {  	_ =	shalt  }
0x6f: {  	_ =	shalt  }
0x70: {  	_ =	shalt  }
0x71: {  	_ =	shalt  }
0x72: {  	_ =	shalt  }
0x73: {  	_ =	shalt  }
0x74: {  	_ =	shalt  }
0x75: {  	_ =	shalt  }
0x76: {  	_ =	shalt  }
0x77: {  	_ =	shalt  }
0x78: {  	_ =	shalt  }
0x79: {  	_ =	shalt  }
0x7a: {  	_ =	shalt  }
0x7b: {  	_ =	shalt  }
0x7c: {  	_ =	shalt  }
0x7d: {  	_ =	shalt  }
0x7e: {  	_ =	shalt  }
0x7f: {  	_ =	shalt  }
0x80: {  	_ =	shalt  }
0x81: {  	_ =	shalt  }
0x82: {  	_ =	shalt  }
0x83: {  	_ =	shalt  }
0x84: {  	_ =	shalt  }
0x85: {  	_ =	shalt  }
0x86: {  	_ =	shalt  }
0x87: {  	_ =	shalt  }
.Lfunc_end0:
.L_simem_size_0:
called_computation.2_lowered:
.L_overlay_start_0:
0x88: {  	s0 =	sld [smem:$0x3FD9]  }
0x89: {  	s1 =	sld [smem:$0x3FFE];
	_ =	sdelay $0x3  }
0x8a: {  	s0 =	sadd.s32 s1, s0  }
0x8b: {  	[smem:$0x3FBD] =	sst s0  }
0x8c: {  	_ = 	snop  }
0x8d: {  	s0 =	sld [smem:$0x3FD0];
	_ =	sdelay $0x2  }
0x8e: {  	s2 =	simm.s32 $0xC;
	s3 =	simm.s32 $0x10;
	s13 =	sld [smem:$0x3FC7]  }
0x8f: {  	[smem:s3], [sflag:s2] =	dma.local [hbm:s0], $0x1  }
0x90: {  	_ =	swait.eq [sflag:s2], $0x1  }
0x91: {  	[sflag:s2] =	ssyncset.done $0x0  }
0x92: {  	[sflag:s2] =	ssyncadd.s32 $0xFFFFFFFF  }
0x93: {  	s14 =	sld [smem:$0x12];
	(tm) =	ssettm $0x1  }
0x94: {  	s15 =	sld [smem:$0x3FFB];
	_ =	sdelay $0x3  }
0x95: {  	_ =	strace s15  }
0x96: {  	s2 =	sld [smem:$0x3FFC];
	_ =	sdelay $0x3  }
0x97: {  	_ =	strace s2  }
0x98: {  	s2 =	sld [smem:$0x3FFD];
	_ =	sdelay $0x3  }
0x99: {  	_ =	strace s2  }
0x9a: {  	_ =	strace $0x8FFFFFFF  }
0x9b: {  	s16 =	sld [smem:$0x3FDB];
	_ =	sdelay $0x1  }
0x9c: {  	s17 =	simm.s32 $_scs_section_size  }
0x9d: {  	s4 =	simm.s32 $_size__tile_overlayer_lowered;
	s5 =	simm.s32 $_tile_overlayer_lowered  }
0x9e: {  	s20 =	simm.s32 $0x1BFF;
	s19 =	sshll.u32 s5, $0x1;
	s2 =	sadd.s32 s17, s16  }
0x9f: {  	s6 =	simm.s32 $0x0;
	s18 =	sshll.u32 s4, $0x1;
	s4 =	sadd.s32 s19, s2  }
0xa0: {  	[timem:s6], [sflag:s20] =	dma.local [hbm:s4], s18  }
0xa1: {  	_ =	swait.ge [sflag:s20], s18  }
0xa2: {  	s3 =	ssub.s32 $0x0, s18;
	[sflag:s20] =	ssyncset.done $0x0  }
0xa3: {  	[sflag:s20] =	ssyncadd.s32 s3;
	_ =	sdelay $0x1  }
0xa4: {  	s21 =	simm.s32 $0x1B8B  }
0xa5: {  	_ =	swait.ge [sflag:s21], $0x1  }
0xa6: {  	[sflag:s21] =	ssyncset.done $0x0  }
0xa7: {  	s23 =	simm.s32 $0x1B8E;
	s22 =	sld [smem:$0x3FFE];
	[sflag:s21] =	ssyncadd.s32 $0xFFFFFFFF  }
0xa8: {  	s24 =	simm.s32 $execute0_lowered;
	[smem:$0x3FD2] =	sst s23  }
0xa9: {  	s4 =	sshll.u32 s24, $0x1;
	_ =	strace $0x80000046;
	[dreg:$0x1] =	wrdreg $0xFFFFFFFF  }
0xaa: {  	s25 =	simm.s32 $_size_execute0_lowered;
	s2 =	sadd.s32 s2, s4;
	[dreg:$0x0] =	wrdreg $0x0  }
0xab: {  	s4 =	sshll.u32 s25, $0x1;
	[dreg:$0x2] =	wrdreg s2  }
0xac: {  	[dreg:$0x3] =	wrdreg s4  }
0xad: {  	[dreg:$0x4] =	wrdreg $0xC0  }
0xae: {  	_ =	task [dreg:s6], $0x5FFFF  }
0xaf: {  	[dreg:$0x1] =	wrdreg $0xFFFFFFFF  }
0xb0: {  	[dreg:$0x0] =	wrdreg $0x60  }
0xb1: {  	[dreg:$0x2] =	wrdreg s13  }
0xb2: {  	[dreg:$0x3] =	wrdreg s14  }
0xb3: {  	[dreg:$0x4] =	wrdreg s22  }
0xb4: {  	[dreg:$0x5] =	wrdreg $0xB  }
0xb5: {  	_ =	task.clear_ibuf [dreg:s6], $0x6FFFF;
	_ =	strace $0x90000046  }
0xb6: {  	s26 =	simm.s32 $0xB;
	_ =	strace $0x80000048  }
0xb7: {  	_ =	swait.ge [sflag:s26], $0x1  }
0xb8: {  	[sflag:s26] =	ssyncadd.s32 $0xFFFFFFFF  }
0xb9: {  	_ =	strace $0x90000048  }
0xba: {  	_ =	sfence  }
0xbb: {  	s28 =	sld [smem:$0x0];
	_ =	sdelay $0x1  }
0xbc: {  	s29 =	srdreg.scid  }
0xbd: {  	s30 =	sshll.u32 s29, $0xD;
	s31 =	sshrl.u32 s29, $0x2  }
0xbe: {  	s1 =	sand.u32 $0x1, s29;
	s2 =	sand.u32 $0x4000, s30;
	s0 =	sadd.s32 s31, s28  }
0xbf: {  	s1 =	sor.u32 s2, s1;
	s0 =	sshll.u32 s0, $0x11  }
0xc0: {  	s0 =	sor.u32 s0, s1  }
0xc1: {  	s0 =	sadd.s32 $0x8F2B, s0  }
0xc2: {  	[sflag:s0] =	ssyncadd.remote.s32 $0x1  }
0xc3: {  	_ =	sfence.sel $0xFFFF  }
0xc4: {  	[dreg:$0x0] =	wrdreg $0xFFFFFFFF;
	(pc) =	sbr.abs _section_cstart, $3  }
0xc5: {  	[dreg:$0x1] =	wrdreg $0xFFFFFFFF  }
0xc6: {  	_ =	task.clear_ibuf [dreg:s6], $0x2FFFF;
	_ =	strace $0x9FFFFFFF  }
0xc7: {  	(tm) =	ssettm $0x7FFFFFFF  }
tec
execute0_lowered:
.L_overlay_start_1:
0x0: {  	(tag) =	ssettag $0x1  }
0x1: {  	s2 =	rddreg [dreg:$0x0]  }
0x2: {  	s3 =	rddreg [dreg:$0x1]  }
0x3: {  	s4 =	rddreg [dreg:$0x2]  }
0x4: {  	s0 =	rddreg [dreg:$0x3];
	_ =	strace $0x80000047  }
0x5: {  	s5 =	simm.s32 $0x1;
	s1 =	stileid.u32;
	s8 =	simm.s32 $0x1  }
0x6: {  	s9 =	simm.s32 $0x1;
	s7 =	simm.s32 $0x2;
	s10 =	simm.s32 $0x3  }
.Ltmp0:
0x7: {  	s13 =	simm.s32 $0x0;
	p0 =	slt.u32 s1, $0xA;
	(pc) =	sbr.rel .LBB2_1-.Ltmp0, $4  }
0x8: {  	[sflag:s5] =	ssyncpa.u1 $0x0;
	s8 =	simm.s32 @!p0 $0x0;
	p0 =	sne.s32 s1, $0x9  }
0x9: {  	s6 =	smul.u32 $0x190, s1;
	[sflag:s7] =	ssyncpa.u1 $0x0;
	s9 =	simm.s32 @!p0 $0x0  }
0xa: {  	s12 =	simm.s32 $0x0;
	[sflag:s10] =	ssyncpa.u1 $0x0;
	s8 =	sadd.s32 s9, s8  }
0xb: {  	vm0 =	vmmov $0xffff;
	s10 =	simm.s32 $0x0;
	s11 =	smov.u32 s6;
	s9 =	sadd.s32 $0x1, s8  }
.LBB2_4:
0xc: {  	v2 =	vnsel vm1, $0x0, v2  }
0xd: {  	vm1 =	vgt.s32 v0, $0x0;
	v2 =	vmin.u32 v2, $0x270F  }
0xe: {  	v0 =	vnsel vm1, $0x0, v0  }
0xf: {  	v0 =	vmin.u32 v0, $0x270F  }
0x10: {  	[tilespmem:s18], [sflag:$0x1] =	stream.indirect_vreg.gather [hbm4b:s2+s10], $0x1, v1, vm0, $0x4038;
	[tilespmem:$0x640] =	vst v63  }
0x11: {  	(ifvalue) =	ssetifvalue $0x7FFFFFFF  }
0x12: {  	[tilespmem:s15], [sflag:$0x1] =	stream.indirect_vreg.gather [hbm4b:s2+s10], $0x1, v2, vm0, $0x4038;
	[tilespmem:$0x640] =	vst v63  }
0x13: {  	s29 =	sadd.s32 $0x10, s15;
	(ifvalue) =	ssetifvalue $0x7FFFFFFF  }
0x14: {  	[tilespmem:s29], [sflag:$0x1] =	stream.indirect_vreg.gather [hbm4b:s2+s10], $0x1, v0, vm0, $0x4038;
	[tilespmem:$0x640] =	vst v63  }
0x15: {  	_ =	swait.ge [sflag:s5], $0x190  }
0x16: {  	s30 =	sshrl.u32 s13, $0x3;
	[sflag:s5] =	ssyncset.done $0x0  }
0x17: {  	s31 =	sand.u32 $0x7, s13;
	s15 =	sadd.s32 s4, s30;
	[sflag:s5] =	ssyncadd.s32 $0xFFFFFE70  }
0x18: {  	[hbm4b:s15+s31] =	stream.linear.scatter [tilespmem:s14], [sflag:$0x3], $0x190, $0x38;
	[tilespmem:$0x640] =	vst v63  }
.LBB2_5:
0x19: {  	s15 =	sadd.s32 $0x1900, s11  }
0x1a: {  	p1 =	sgt.s32 s15, $0x270F  }
0x1b: {  	s15 =	smov.u32 @p1 s6;
	p1 =	sne.s32 s12, s9  }
.Ltmp1:
0x1c: {  	p0 =	slt.u32 s12, $0x2;
	(pc) =	sbr.rel @!p1 .LBB2_6-.Ltmp1, $4  }
0x1d: {  	s14 =	simm.s32 @!p0 $0x3  }
0x1e: {  	_ =	swait.ge @!p0 [sflag:s14], $0x190  }
0x1f: {  	s16 =	sadd.s32 $0x1, s12;
	s13 =	smov.u32 s11;
	[sflag:s14] =	ssyncset.done @!p0 $0x0  }
0x20: {  	s12 =	smov.u32 s16;
	s11 =	smov.u32 s15;
	[sflag:s14] =	ssyncadd.s32 @!p0 $0xFFFFFE70  }
.LBB2_1:
0x21: {  	p0 =	sge.u32 s12, s8  }
0x22: {  	s14 =	sxor.u32 @!p0 $0x1, s12  }
0x23: {  	s14 =	smul.u32 @!p0 $0x640, s14  }
0x24: {  	s31 =	sadd.s32 $0xFFFFFFFF, s12;
	s15 =	sshrl.u32 @!p0 s11, $0x3  }
0x25: {  	s16 =	sand.u32 @!p0 $0x7, s11;
	s15 =	sadd.s32 @!p0 s3, s15;
	s14 =	sshra.s32 @!p0 s14, $0x2  }
0x26: {  	[tilespmem:s14], [sflag:$0x2] =	stream.linear.gather @!p0 [hbm4b:s15+s16], $0x190, $0x38;
	[tilespmem:$0x640] =	vst v63  }
0x27: {  	p0 =	sge.u32 s31, s8  }
.Ltmp2:
0x28: {  	_ = 	snop;
	(pc) =	sbr.rel @p0 .LBB2_5-.Ltmp2, $1  }
0x29: {  	_ =	sdelay $0x3  }
0x2a: {  	s14 =	sand.u32 $0x1, s12  }
0x2b: {  	_ =	swait.ge [sflag:s7], $0x190;
	p0 =	seq.s32 s14, $0x1;
	s14 =	simm.s32 $0x190  }
0x2c: {  	[sflag:s7] =	ssyncset.done $0x0;
	s14 =	simm.s32 @!p0 $0x0  }
0x2d: {  	[sflag:s7] =	ssyncadd.s32 $0xFFFFFE70;
	(ifvalue) =	ssetifvalue $0x7FFFFFFF;
	v0 =	vld.msk [tilespmem:s14+$0x0 ss:$0x1], $0xffff;
	_ =	sdelay $0x4  }
0x2e: {  	s15 =	sadd.s32 $0x10, s14;
	vm1 =	vgt.s32 v0, $0x0  }
0x2f: {  	v2 =	vld.msk [tilespmem:s15+$0x0 ss:$0x1], $0xffff;
	v1 =	vnsel vm1, $0x0, v0  }
0x30: {  	v1 =	vmin.u32 v1, $0x270F;
	_ =	sdelay $0x2  }
0x31: {  	s17 =	simm.s32 $0x20;
	s14 =	sadd.s32 $0x320, s14;
	s16 =	sadd.s32 $0x10, s15  }
0x32: {  	s15 =	sadd.s32 $0x10, s14;
	s18 =	smov.u32 s14;
	v0 =	vld.msk [tilespmem:s16+$0x0 ss:$0x1], $0xffff;
	vm1 =	vgt.s32 v2, $0x0;
	(ifvalue) =	ssetifvalue $0x7FFFFFFF  }
.LBB2_3:
0x33: {  	[tilespmem:s18], [sflag:$0x1] =	stream.indirect_vreg.gather [hbm4b:s2+s10], $0x1, v1, vm0, $0x4038;
	[tilespmem:$0x640] =	vst v63  }
0x34: {  	s17 =	sadd.s32 $0x10, s17  }
0x35: {  	v2 =	vnsel vm1, $0x0, v2;
	p0 =	slt.u32 s17, $0x180  }
.Ltmp3:
0x36: {  	s18 =	smov.u32 s15;
	v1 =	vmin.u32 v2, $0x270F;
	(pc) =	sbr.rel @p0 .LBB2_3-.Ltmp3, $3  }
0x37: {  	_ =	sdelay $0x1  }
0x38: {  	s16 =	sadd.s32 $0x10, s16  }
0x39: {  	vm1 =	vgt.s32 v0, $0x0;
	s15 =	sadd.s32 $0x10, s15;
	v2 =	vmov v0;
	(ifvalue) =	ssetifvalue $0x7FFFFFFF;
	v0 =	vld.msk [tilespmem:s16+$0x0 ss:$0x1], $0xffff  }
.Ltmp4:
0x3a: {  	_ = 	snop;
	(pc) =	sbr.rel .LBB2_4-.Ltmp4, $1  }
0x3b: {  	_ =	sdelay $0x3  }
.LBB2_6:
0x3c: {  	_ =	sfence.sel $0x180000  }
0x3d: {  	s2 =	simm.s32 $0x2;
	[bflag:$0x0] =	sbarrier.arrive $0xFFFF  }
0x3e: {  	s30 =	simm.s32 $0x3;
	[sflag:s2] =	ssyncpa.u1 $0x1  }
0x3f: {  	s31 =	simm.s32 $0x1;
	[sflag:s30] =	ssyncpa.u1 $0x1  }
0x40: {  	[sflag:s31] =	ssyncpa.u1 $0x1  }
0x41: {  	p0 =	sne.s32 s1, $0x0;
	_ =	strace $0x90000047  }
0x42: {  	s0 =	sadd.s32 @!p0 $0x100000, s0;
	[bflag:$0x2] =	sbarrier.arrive $0xFFFF  }
0x43: {  	[sflag:s0] =	ssyncadd.tile.s32 @!p0 $0x1;
	_ =	shalt  }
.Lfunc_end2:
_tile_overlayer_lowered:
.L_overlay_start_2:
0x44: {  	(tag) =	ssettag $0x2  }
0x45: {  	s0 =	rddreg [dreg:$0x0];
	s2 =	stileid.u32  }
0x46: {  	s1 =	rddreg [dreg:$0x1];
	p0 =	sne.s32 s2, $0x0  }
0x47: {  	s3 =	rddreg [dreg:$0x2];
	[bflag:$0x3] =	sbarrier.arrive $0xFFFF;
	s2 =	simm.s32 @!p0 $0x1C01  }
0x48: {  	[timem:s3], [sflag:s2] =	dma.local @!p0 [hbm:s0], s1  }
0x49: {  	s0 =	simm.s32 @!p0 $0x1  }
0x4a: {  	_ =	swait.ge @!p0 [sflag:s0], s1  }
0x4b: {  	s1 =	ssub.s32 @!p0 $0x0, s1;
	[sflag:s0] =	ssyncset.done @!p0 $0x0  }
0x4c: {  	[sflag:s0] =	ssyncadd.s32 @!p0 s1  }
0x4d: {  	[bflag:$0x3] =	sbarrier.arrive $0xFFFF  }
0x4e: {  	_ =	shalt  }

// kernel: gather_offload_async_start
scs
__scs_entry_jumppad:
0x0: {  	(pc) =	sbr.rel $0x88, $3  }
0x1: {  	(tag) =	ssettag $0x0;
	lr =	simm.s32 $0x1  }
0x2: {  	[smem:$0x3F96] =	sst lr;
	_ =	strace $0xD0000000  }
0x3: {  	_ = 	snop  }
0x4: {  	_ = 	snop  }
0x5: {  	_ = 	snop  }
0x6: {  	_ = 	snop  }
0x7: {  	_ = 	snop  }
__scs_overlays_trampoline_lowered:
0x8: {  	[smem:$0x3FA5] =	sst s0  }
0x9: {  	[smem:$0x3FA6] =	sst s1  }
0xa: {  	[smem:$0x3FA7] =	sst s2  }
0xb: {  	[smem:$0x3FA8] =	sst s3  }
0xc: {  	[smem:$0x3FA9] =	sst s4  }
0xd: {  	[smem:$0x3FAA] =	sst s5  }
0xe: {  	[smem:$0x3FAB] =	sst s6  }
0xf: {  	[smem:$0x3FAC] =	sst s7  }
0x10: {  	[smem:$0x3FAD] =	sst s8  }
0x11: {  	[smem:$0x3FAE] =	sst s9;
	s0 =	simm.s32 @!p0 $0x0  }
0x12: {  	s1 =	sld [smem:$0x3F94];
	s0 =	simm.s32 @p0 $0x1  }
0x13: {  	[smem:$0x3FAF] =	sst s0;
	s0 =	simm.s32 @!p1 $0x0  }
0x14: {  	s2 =	sld [smem:$0x3F93];
	s0 =	simm.s32 @p1 $0x1  }
0x15: {  	[smem:$0x3FB0] =	sst s0;
	s0 =	simm.s32 @!p2 $0x0  }
0x16: {  	s3 =	sld [smem:$0x3FDB];
	s0 =	simm.s32 @p2 $0x1  }
0x17: {  	s4 =	simm.s32 $0x1BF5;
	[smem:$0x3FB2] =	sst s0  }
0x18: {  	s0 =	sld [smem:$0x3F95];
	_ =	swait.ge [sflag:s4], $0x0  }
0x19: {  	s7 =	sld [smem:$0x3F96]  }
0x1a: {  	s8 =	sadd.s32 $0xFFFFE003, lr  }
0x1b: {  	s9 =	sadd.s32 $0xFFFFFEF7, lr;
	s5 =	simm.s32 $0xFFFFFFFF;
	p2 =	slt.u32 s8, $0xFFFFF086  }
0x1c: {  	p1 =	slt.u32 s9, $0xF7A;
	s5 =	simm.s32 @!p2 $0x0  }
0x1d: {  	s5 =	simm.s32 @p1 $0x1;
	p0 =	seq.s32 s7, s2  }
0x1e: {  	s7 =	smul.u32 @!p0 $0xF7A, s2;
	p2 =	seq.s32 @!p0 s5, $0x0  }
0x1f: {  	s9 =	smul.u32 $0xF7A, s1;
	s8 =	simm.s32 @!p0 $0x1BF5;
	p2 =	por !p2, p0  }
0x20: {  	[sflag:s8] =	ssyncset.s32 @!p0 $0xFFFFF086;
	s6 =	sadd.s32 @!p0 s3, s7;
	s7 =	simm.s32 @!p0 $0x108  }
0x21: {  	s3 =	sadd.s32 s3, s9;
	s6 =	sadd.s32 @!p0 $0x88, s6;
	s7 =	simm.s32 @p2 $0x1082  }
0x22: {  	[simem:s7], [sflag:s8] =	dma.local @!p0 [hbm:s6], $0xF7A  }
0x23: {  	s9 =	sor.u32 $0xD0000000, s2;
	s6 =	simm.s32 $0x108;
	_ =	swait.ge @!p0 [sflag:s8], $0x0  }
0x24: {  	s3 =	sadd.s32 $0x88, s3;
	s6 =	simm.s32 @!p1 $0x1082;
	[sflag:s4] =	ssyncset.s32 $0xFFFFF086  }
0x25: {  	[simem:s6], [sflag:s4] =	dma.local [hbm:s3], $0xF7A  }
0x26: {  	[smem:$0x3F96] =	sst s1;
	(tag) =	ssettag s2;
	_ =	strace s9  }
0x27: {  	s1 =	sld [smem:$0x3FA6]  }
0x28: {  	s2 =	sld [smem:$0x3FA7]  }
0x29: {  	s4 =	sld [smem:$0x3FA9]  }
0x2a: {  	p0 =	seq.s32 s5, $0x0;
	s5 =	sld [smem:$0x3FAA]  }
0x2b: {  	s6 =	sld [smem:$0x3FAB]  }
0x2c: {  	s7 =	sld [smem:$0x3FAC]  }
0x2d: {  	s3 =	simm.s32 $0x108;
	s8 =	sld [smem:$0x3FAD]  }
0x2e: {  	s3 =	simm.s32 @!p0 $0x1082;
	s9 =	sld [smem:$0x3FAE]  }
0x2f: {  	lr =	sadd.s32 s0, s3;
	s0 =	sld [smem:$0x3FA5]  }
0x30: {  	s3 =	sld [smem:$0x3FA8]  }
0x31: {  	[smem:$0x3FB1] =	sst s10  }
0x32: {  	s10 =	sld [smem:$0x3FAF];
	_ =	sdelay $0x3  }
0x33: {  	p0 =	seq.s32 s10, $0x1;
	s10 =	sld [smem:$0x3FB1];
	_ =	sdelay $0x3  }
0x34: {  	[smem:$0x3FB1] =	sst s10  }
0x35: {  	s10 =	sld [smem:$0x3FB0];
	_ =	sdelay $0x3  }
0x36: {  	p1 =	seq.s32 s10, $0x1;
	s10 =	sld [smem:$0x3FB1];
	_ =	sdelay $0x3  }
0x37: {  	[smem:$0x3FB1] =	sst s10  }
0x38: {  	s10 =	sld [smem:$0x3FB2]  }
0x39: {  	_ = 	snop;
	(pc) =	sbr.ind lr, $3  }
0x3a: {  	_ = 	snop  }
0x3b: {  	_ = 	snop  }
0x3c: {  	p2 =	seq.s32 s10, $0x1;
	s10 =	sld [smem:$0x3FB1]  }
0x3d: {  	_ =	shalt  }
0x3e: {  	_ =	shalt  }
0x3f: {  	_ =	shalt  }
0x40: {  	_ =	shalt  }
0x41: {  	_ =	shalt  }
0x42: {  	_ =	shalt  }
0x43: {  	_ =	shalt  }
0x44: {  	_ =	shalt  }
0x45: {  	_ =	shalt  }
0x46: {  	_ =	shalt  }
0x47: {  	_ =	shalt  }
0x48: {  	_ =	shalt  }
0x49: {  	_ =	shalt  }
0x4a: {  	_ =	shalt  }
0x4b: {  	_ =	shalt  }
0x4c: {  	_ =	shalt  }
0x4d: {  	_ =	shalt  }
0x4e: {  	_ =	shalt  }
0x4f: {  	_ =	shalt  }
0x50: {  	_ =	shalt  }
0x51: {  	_ =	shalt  }
0x52: {  	_ =	shalt  }
0x53: {  	_ =	shalt  }
0x54: {  	_ =	shalt  }
0x55: {  	_ =	shalt  }
0x56: {  	_ =	shalt  }
0x57: {  	_ =	shalt  }
0x58: {  	_ =	shalt  }
0x59: {  	_ =	shalt  }
0x5a: {  	_ =	shalt  }
0x5b: {  	_ =	shalt  }
0x5c: {  	_ =	shalt  }
0x5d: {  	_ =	shalt  }
0x5e: {  	_ =	shalt  }
0x5f: {  	_ =	shalt  }
0x60: {  	_ =	shalt  }
0x61: {  	_ =	shalt  }
0x62: {  	_ =	shalt  }
0x63: {  	_ =	shalt  }
0x64: {  	_ =	shalt  }
0x65: {  	_ =	shalt  }
0x66: {  	_ =	shalt  }
0x67: {  	_ =	shalt  }
0x68: {  	_ =	shalt  }
0x69: {  	_ =	shalt  }
0x6a: {  	_ =	shalt  }
0x6b: {  	_ =	shalt  }
0x6c: {  	_ =	shalt  }
0x6d: {  	_ =	shalt  }
0x6e: {  	_ =	shalt  }
0x6f: {  	_ =	shalt  }
0x70: {  	_ =	shalt  }
0x71: {  	_ =	shalt  }
0x72: {  	_ =	shalt  }
0x73: {  	_ =	shalt  }
0x74: {  	_ =	shalt  }
0x75: {  	_ =	shalt  }
0x76: {  	_ =	shalt  }
0x77: {  	_ =	shalt  }
0x78: {  	_ =	shalt  }
0x79: {  	_ =	shalt  }
0x7a: {  	_ =	shalt  }
0x7b: {  	_ =	shalt  }
0x7c: {  	_ =	shalt  }
0x7d: {  	_ =	shalt  }
0x7e: {  	_ =	shalt  }
0x7f: {  	_ =	shalt  }
0x80: {  	_ =	shalt  }
0x81: {  	_ =	shalt  }
0x82: {  	_ =	shalt  }
0x83: {  	_ =	shalt  }
0x84: {  	_ =	shalt  }
0x85: {  	_ =	shalt  }
0x86: {  	_ =	shalt  }
0x87: {  	_ =	shalt  }
.Lfunc_end0:
.L_simem_size_0:
called_computation_lowered:
.L_overlay_start_0:
0x88: {  	s0 =	sld [smem:$0x3FD9]  }
0x89: {  	s1 =	sld [smem:$0x3FFE];
	_ =	sdelay $0x3  }
0x8a: {  	s0 =	sadd.s32 s1, s0  }
0x8b: {  	[smem:$0x3FBD] =	sst s0  }
0x8c: {  	_ = 	snop  }
0x8d: {  	s0 =	sld [smem:$0x3FD0];
	_ =	sdelay $0x2  }
0x8e: {  	s13 =	simm.s32 $0xC;
	s2 =	simm.s32 $0x10  }
0x8f: {  	[smem:s2], [sflag:s13] =	dma.local [hbm:s0], $0x1  }
0x90: {  	_ =	swait.eq [sflag:s13], $0x1  }
0x91: {  	[sflag:s13] =	ssyncset.done $0x0  }
0x92: {  	s14 =	sld [smem:$0x11];
	[sflag:s13] =	ssyncadd.s32 $0xFFFFFFFF  }
0x93: {  	s15 =	sld [smem:$0x12];
	(tm) =	ssettm $0x1  }
0x94: {  	s16 =	sld [smem:$0x3FFB];
	_ =	sdelay $0x3  }
0x95: {  	_ =	strace s16  }
0x96: {  	s2 =	sld [smem:$0x3FFC];
	_ =	sdelay $0x3  }
0x97: {  	_ =	strace s2  }
0x98: {  	s2 =	sld [smem:$0x3FFD];
	_ =	sdelay $0x3  }
0x99: {  	_ =	strace s2  }
0x9a: {  	_ =	strace $0x8FFFFFFF  }
0x9b: {  	s17 =	sld [smem:$0x3FDB];
	_ =	sdelay $0x1  }
0x9c: {  	s3 =	simm.s32 $_scs_section_size  }
0x9d: {  	s4 =	simm.s32 $_size__tile_overlayer_lowered;
	s5 =	simm.s32 $_tile_overlayer_lowered  }
0x9e: {  	s20 =	simm.s32 $0x1BFF;
	s19 =	sshll.u32 s5, $0x1;
	s2 =	sadd.s32 s3, s17  }
0x9f: {  	s6 =	simm.s32 $0x0;
	s18 =	sshll.u32 s4, $0x1;
	s4 =	sadd.s32 s19, s2  }
0xa0: {  	[timem:s6], [sflag:s20] =	dma.local [hbm:s4], s18  }
0xa1: {  	_ =	swait.ge [sflag:s20], s18  }
0xa2: {  	s3 =	ssub.s32 $0x0, s18;
	[sflag:s20] =	ssyncset.done $0x0  }
0xa3: {  	[sflag:s20] =	ssyncadd.s32 s3;
	_ =	sdelay $0x1  }
0xa4: {  	s21 =	simm.s32 $0x1B8B  }
0xa5: {  	_ =	swait.ge [sflag:s21], $0x1  }
0xa6: {  	[sflag:s21] =	ssyncset.done $0x0  }
0xa7: {  	s23 =	simm.s32 $0x1B8E;
	s22 =	sld [smem:$0x3FFE];
	[sflag:s21] =	ssyncadd.s32 $0xFFFFFFFF  }
0xa8: {  	s24 =	simm.s32 $execute0_lowered;
	[smem:$0x3FD2] =	sst s23  }
0xa9: {  	s4 =	sshll.u32 s24, $0x1;
	_ =	strace $0x8000004C;
	[dreg:$0x1] =	wrdreg $0xFFFFFFFF  }
0xaa: {  	s25 =	simm.s32 $_size_execute0_lowered;
	s2 =	sadd.s32 s2, s4;
	[dreg:$0x0] =	wrdreg $0x0  }
0xab: {  	s4 =	sshll.u32 s25, $0x1;
	[dreg:$0x2] =	wrdreg s2  }
0xac: {  	[dreg:$0x3] =	wrdreg s4  }
0xad: {  	[dreg:$0x4] =	wrdreg $0xC0  }
0xae: {  	_ =	task [dreg:s6], $0x5FFFF  }
0xaf: {  	[dreg:$0x1] =	wrdreg $0xFFFFFFFF  }
0xb0: {  	[dreg:$0x0] =	wrdreg $0x60  }
0xb1: {  	[dreg:$0x2] =	wrdreg s14  }
0xb2: {  	[dreg:$0x3] =	wrdreg s15  }
0xb3: {  	[dreg:$0x4] =	wrdreg s22  }
0xb4: {  	[dreg:$0x5] =	wrdreg $0x9  }
0xb5: {  	_ =	task.clear_ibuf [dreg:s6], $0x6FFFF;
	_ =	strace $0x9000004C  }
0xb6: {  	s26 =	simm.s32 $0x9;
	_ =	strace $0x8000004E  }
0xb7: {  	_ =	swait.ge [sflag:s26], $0x1  }
0xb8: {  	[sflag:s26] =	ssyncadd.s32 $0xFFFFFFFF  }
0xb9: {  	_ =	strace $0x9000004E  }
0xba: {  	_ =	sfence  }
0xbb: {  	s28 =	sld [smem:$0x0];
	_ =	sdelay $0x1  }
0xbc: {  	s29 =	srdreg.scid  }
0xbd: {  	s30 =	sshll.u32 s29, $0xD;
	s31 =	sshrl.u32 s29, $0x2  }
0xbe: {  	s1 =	sand.u32 $0x1, s29;
	s2 =	sand.u32 $0x4000, s30;
	s0 =	sadd.s32 s31, s28  }
0xbf: {  	s1 =	sor.u32 s2, s1;
	s0 =	sshll.u32 s0, $0x11  }
0xc0: {  	s0 =	sor.u32 s0, s1  }
0xc1: {  	s0 =	sadd.s32 $0x8F2B, s0  }
0xc2: {  	[sflag:s0] =	ssyncadd.remote.s32 $0x1  }
0xc3: {  	_ =	sfence.sel $0xFFFF  }
0xc4: {  	[dreg:$0x0] =	wrdreg $0xFFFFFFFF;
	(pc) =	sbr.abs _section_cstart, $3  }
0xc5: {  	[dreg:$0x1] =	wrdreg $0xFFFFFFFF  }
0xc6: {  	_ =	task.clear_ibuf [dreg:s6], $0x2FFFF;
	_ =	strace $0x9FFFFFFF  }
0xc7: {  	(tm) =	ssettm $0x7FFFFFFF  }
tec
execute0_lowered:
.L_overlay_start_1:
0x0: {  	(tag) =	ssettag $0x1  }
0x1: {  	s0 =	stileid.u32  }
0x2: {  	s1 =	smin.u32 s0, $0x9  }
0x3: {  	s1 =	sadd.s32 s0, s1  }
0x4: {  	s2 =	simm.s32 $0x320;
	p0 =	slt.u32 s0, $0x9;
	s1 =	smul.u32 $0x190, s1  }
0x5: {  	s2 =	simm.s32 @!p0 $0x190  }
0x6: {  	s2 =	sadd.s32 s2, s1  }
0x7: {  	s3 =	smin.u32 s2, $0x2710  }
0x8: {  	s7 =	ssub.s32 s3, s1  }
0x9: {  	p0 =	sgt.s32 s7, $0x0  }
0xa: {  	s7 =	simm.s32 @!p0 $0x0  }
0xb: {  	s31 =	sand.u32 $0xFFF0, s7  }
0xc: {  	s4 =	rddreg [dreg:$0x0];
	s2 =	sshrl.u32 s31, $0x4  }
0xd: {  	s5 =	rddreg [dreg:$0x1];
	s2 =	smul.u32 $0xA3E, s2  }
0xe: {  	s9 =	rddreg [dreg:$0x2]  }
0xf: {  	s6 =	simm.s32 $0x1;
	s11 =	simm.s32 $0x3;
	s8 =	sshrl.u32 s2, $0x10  }
0x10: {  	s13 =	simm.s32 $0x0;
	s12 =	simm.s32 $0x0;
	s10 =	smul.u32 $0x190, s8  }
.Ltmp0:
0x11: {  	s9 =	sadd.s32 $0x27800, s9;
	s2 =	rddreg [dreg:$0x3];
	(pc) =	sbr.rel .LBB2_1-.Ltmp0, $4  }
0x12: {  	_ =	strace $0x8000004D;
	p0 =	sne.s32 s7, s10;
	s10 =	simm.s32 $0x1  }
0x13: {  	[sflag:s6] =	ssyncpa.u1 $0x0;
	s7 =	simm.s32 $0x2;
	s10 =	simm.s32 @!p0 $0x0  }
0x14: {  	[sflag:s7] =	ssyncpa.u1 $0x0;
	p0 =	por $0x0, $0x0;
	s8 =	sadd.s32 s8, s10  }
0x15: {  	vm0 =	vmmov $0xff;
	vm1 =	vcmask $0x3F20;
	[sflag:s11] =	ssyncpa.u1 $0x0;
	s11 =	smov.u32 s1;
	s10 =	sadd.s32 $0x1, s8  }
.LBB2_6:
0x16: {  	[hbm:s17] =	stream.linear.scatter [tilespmem:s14], [sflag:$0x3], $0x400, $0x38;
	[tilespmem:$0x19320] =	vst v63  }
.LBB2_7:
0x17: {  	s13 =	sadd.s32 $0x190, s11  }
0x18: {  	s15 =	smov.u32 s1;
	p2 =	slt.s32 s13, s3  }
0x19: {  	s15 =	smov.u32 @p2 s13;
	p2 =	sne.s32 s12, s10  }
.Ltmp1:
0x1a: {  	p1 =	slt.u32 s12, $0x2;
	(pc) =	sbr.rel @!p2 .LBB2_8-.Ltmp1, $4  }
0x1b: {  	s14 =	simm.s32 @!p1 $0x3  }
0x1c: {  	s16 =	sadd.s32 $0x1, s12;
	_ =	swait.ge @!p1 [sflag:s14], $0xC800  }
0x1d: {  	p0 =	por !p0, !p0;
	s13 =	smov.u32 s11;
	[sflag:s14] =	ssyncset.done @!p1 $0x0  }
0x1e: {  	s12 =	smov.u32 s16;
	s11 =	smov.u32 s15;
	[sflag:s14] =	ssyncadd.s32 @!p1 $0xFFFF3800  }
.LBB2_1:
0x1f: {  	p1 =	sge.u32 s12, s8  }
0x20: {  	s14 =	sxor.u32 @!p1 $0xFFFFFFFF, s12  }
0x21: {  	s14 =	sand.u32 @!p1 $0x1, s14  }
0x22: {  	s14 =	smul.u32 @!p1 $0x640, s14  }
0x23: {  	s31 =	sadd.s32 $0xFFFFFFFF, s12;
	s15 =	sshrl.u32 @!p1 s11, $0x3  }
0x24: {  	s16 =	sand.u32 @!p1 $0x7, s11;
	s15 =	sadd.s32 @!p1 s5, s15;
	s14 =	sshrl.u32 @!p1 s14, $0x2  }
0x25: {  	[tilespmem:s14], [sflag:$0x2] =	stream.linear.gather @!p1 [hbm4b:s15+s16], $0x190, $0x38;
	[tilespmem:$0x19320] =	vst v63  }
0x26: {  	p1 =	sge.u32 s31, s8  }
.Ltmp2:
0x27: {  	_ = 	snop;
	(pc) =	sbr.rel @p1 .LBB2_7-.Ltmp2, $1  }
0x28: {  	_ =	sdelay $0x3  }
0x29: {  	s14 =	simm.s32 $0x1  }
0x2a: {  	s14 =	simm.s32 @!p0 $0x0  }
0x2b: {  	s15 =	smul.u32 $0x640, s14  }
0x2c: {  	_ =	swait.ge [sflag:s7], $0x190  }
0x2d: {  	[sflag:s7] =	ssyncset.done $0x0;
	s16 =	sshrl.u32 s15, $0x2  }
0x2e: {  	[sflag:s7] =	ssyncadd.s32 $0xFFFFFE70;
	s15 =	sadd.s32 $0x0, s16  }
0x2f: {  	v0 =	vld.msk [tilespmem:s15+$0x0 ss:$0x1], $0xffff;
	_ =	sdelay $0x4  }
0x30: {  	vm2 =	vgt.s32 v0, $0x0  }
0x31: {  	v0 =	vnsel vm2, $0x0, v0  }
0x32: {  	v0 =	vmin.u32 v0, $0x270F  }
0x33: {  	v0 =	vshll.u32 v0, $0x4  }
0x34: {  	s14 =	smul.u32 $0x32000, s14;
	_ =	sdelay $0x1  }
0x35: {  	s14 =	sshrl.u32 s14, $0x2  }
0x36: {  	s14 =	sor.u32 $0x320, s14  }
0x37: {  	[tilespmem:s14], [sflag:$0x1] =	stream.indirect_vreg.gather [hbm:s4], $0x80, v0, vm0, $0x38;
	[tilespmem:$0x19320] =	vst v63  }
0x38: {  	s17 =	sadd.s32 $0x10, s16;
	s15 =	sadd.s32 $0x400, s14  }
0x39: {  	[tilespmem:s15], [sflag:$0x1] =	stream.indirect_vreg.gather [hbm:s4], $0x80, v0, vm1, $0x38;
	[tilespmem:$0x19320] =	vst v63  }
0x3a: {  	s18 =	simm.s32 $0x80;
	v0 =	vld.msk [tilespmem:s17+$0x0 ss:$0x1], $0xffff;
	s17 =	smov.u32 s14  }
.LBB2_3:
0x3b: {  	p1 =	sne.s32 s18, $0x600;
	_ =	sdelay $0x4  }
0x3c: {  	vm2 =	vgt.s32 v0, $0x0  }
0x3d: {  	v0 =	vnsel vm2, $0x0, v0  }
0x3e: {  	v0 =	vmin.u32 v0, $0x270F  }
0x3f: {  	v0 =	vshll.u32 v0, $0x4;
	_ =	sdelay $0x3  }
.Ltmp3:
0x40: {  	s19 =	sshra.s32 s18, $0x2;
	s17 =	sadd.s32 $0x800, s17;
	(pc) =	sbr.rel @p1 .LBB2_3-.Ltmp3, $4  }
0x41: {  	[tilespmem:s17], [sflag:$0x1] =	stream.indirect_vreg.gather [hbm:s4], $0x80, v0, vm0, $0x38;
	[tilespmem:$0x19320] =	vst v63  }
0x42: {  	s19 =	sadd.s32 s19, s16;
	s20 =	sadd.s32 $0x400, s17  }
0x43: {  	[tilespmem:s20], [sflag:$0x1] =	stream.indirect_vreg.gather [hbm:s4], $0x80, v0, vm1, $0x38;
	[tilespmem:$0x19320] =	vst v63  }
0x44: {  	s18 =	sadd.s32 $0x40, s18;
	v0 =	vld.msk [tilespmem:s19+$0x0 ss:$0x1], $0xffff  }
0x45: {  	_ =	sdelay $0x3  }
0x46: {  	vm2 =	vgt.s32 v0, $0x0  }
0x47: {  	v0 =	vnsel vm2, $0x0, v0  }
0x48: {  	v0 =	vmin.u32 v0, $0x270F  }
0x49: {  	v0 =	vshll.u32 v0, $0x4;
	_ =	sdelay $0x3  }
0x4a: {  	s16 =	sadd.s32 $0x800, s17  }
0x4b: {  	[tilespmem:s16], [sflag:$0x1] =	stream.indirect_vreg.gather [hbm:s4], $0x80, v0, vm0, $0x38;
	[tilespmem:$0x19320] =	vst v63  }
0x4c: {  	s16 =	sadd.s32 $0x400, s16  }
0x4d: {  	[tilespmem:s16], [sflag:$0x1] =	stream.indirect_vreg.gather [hbm:s4], $0x80, v0, vm1, $0x38;
	[tilespmem:$0x19320] =	vst v63  }
0x4e: {  	s13 =	sshll.u32 s13, $0x4;
	_ =	swait.ge [sflag:s6], $0xC800  }
0x4f: {  	s13 =	sadd.s32 s13, s9;
	[sflag:s6] =	ssyncset.done $0x0  }
0x50: {  	s17 =	sadd.s32 $0x0, s13;
	s16 =	simm.s32 $0x80;
	[sflag:s6] =	ssyncadd.s32 $0xFFFF3800  }
.LBB2_5:
0x51: {  	[hbm:s17] =	stream.linear.scatter [tilespmem:s14], [sflag:$0x3], $0x400, $0x38;
	[tilespmem:$0x19320] =	vst v63  }
0x52: {  	s17 =	smov.u32 s16;
	s14 =	smov.u32 s15;
	p1 =	sne.s32 s16, $0x1880  }
.Ltmp4:
0x53: {  	s16 =	sadd.s32 $0x80, s16;
	(pc) =	sbr.rel @p1 .LBB2_5-.Ltmp4, $2  }
0x54: {  	_ =	sdelay $0x2  }
0x55: {  	s15 =	sadd.s32 $0x400, s15;
	s17 =	sadd.s32 s17, s13  }
.Ltmp5:
0x56: {  	_ = 	snop;
	(pc) =	sbr.rel .LBB2_6-.Ltmp5, $1  }
0x57: {  	_ =	sdelay $0x3  }
.LBB2_8:
0x58: {  	_ =	sfence.sel $0x180000  }
0x59: {  	s1 =	simm.s32 $0x2;
	[bflag:$0x0] =	sbarrier.arrive $0xFFFF  }
0x5a: {  	s30 =	simm.s32 $0x3;
	[sflag:s1] =	ssyncpa.u1 $0x1  }
0x5b: {  	s31 =	simm.s32 $0x1;
	[sflag:s30] =	ssyncpa.u1 $0x1  }
0x5c: {  	[sflag:s31] =	ssyncpa.u1 $0x1  }
0x5d: {  	p0 =	sne.s32 s0, $0x0;
	_ =	strace $0x9000004D  }
0x5e: {  	s0 =	sadd.s32 @!p0 $0x100000, s2;
	[bflag:$0x2] =	sbarrier.arrive $0xFFFF  }
0x5f: {  	[sflag:s0] =	ssyncadd.tile.s32 @!p0 $0x1;
	_ =	shalt  }
.Lfunc_end2:
_tile_overlayer_lowered:
.L_overlay_start_2:
0x60: {  	(tag) =	ssettag $0x2  }
0x61: {  	s0 =	rddreg [dreg:$0x0];
	s2 =	stileid.u32  }
0x62: {  	s1 =	rddreg [dreg:$0x1];
	p0 =	sne.s32 s2, $0x0  }
0x63: {  	s3 =	rddreg [dreg:$0x2];
	[bflag:$0x3] =	sbarrier.arrive $0xFFFF;
	s2 =	simm.s32 @!p0 $0x1C01  }
0x64: {  	[timem:s3], [sflag:s2] =	dma.local @!p0 [hbm:s0], s1  }
0x65: {  	s0 =	simm.s32 @!p0 $0x1  }
0x66: {  	_ =	swait.ge @!p0 [sflag:s0], s1  }
0x67: {  	s1 =	ssub.s32 @!p0 $0x0, s1;
	[sflag:s0] =	ssyncset.done @!p0 $0x0  }
0x68: {  	[sflag:s0] =	ssyncadd.s32 @!p0 s1  }
0x69: {  	[bflag:$0x3] =	sbarrier.arrive $0xFFFF  }
0x6a: {  	_ =	shalt  }

</sc_bundles>
